<compile_context>
chip_gen: v7x
topology: tpu7x:2x2x1
jax: 0.10.2.dev20260603
libtpu: 0.0.44.dev20260713+nightly
codegen_flags: <defaults>
</compile_context>

<pallas_src>
import functools

import jax
import jax.numpy as jnp
from jax import lax
from jax.experimental import pallas as pl
from jax.experimental.pallas import tpu as pltpu
from jax.experimental.pallas import tpu_sc as plsc

_NLANE = 16


def _sc_body(nodes_hbm, mask_hbm, ker_hbm, enc_hbm, out_hbm,
             nodes_v, mask_v, ker_v, enc_v, histT, hist, offs, pcur,
             senc, snode, co, lens, invl, W, L, NC):
    N = W * L
    V = 1024
    NCH = N // _NLANE
    CELLS = W * W

    wid = lax.axis_index("s") * NC + lax.axis_index("c")
    pltpu.sync_copy(nodes_hbm.at[wid], nodes_v)
    pltpu.sync_copy(mask_hbm.at[wid], mask_v)
    pltpu.sync_copy(ker_hbm, ker_v)
    pltpu.sync_copy(enc_hbm, enc_v)

    lane = lax.iota(jnp.int32, _NLANE)
    zi = jnp.zeros((_NLANE,), jnp.int32)
    zf = jnp.zeros((_NLANE,), jnp.float32)

    def zero_body(i, _):
        for j in range(8):
            co[pl.ds(i * 128 + j * _NLANE, _NLANE)] = zf
            histT[pl.ds(i * 128 + j * _NLANE, _NLANE)] = zi
        return 0
    lax.fori_loop(0, CELLS // 128, zero_body, 0)

    def zero_small(i, _):
        lens[pl.ds(i * _NLANE, _NLANE)] = zf
        return 0
    lax.fori_loop(0, W // _NLANE, zero_small, 0)

    ones_i = jnp.ones((_NLANE,), jnp.int32)

    def hist_body(i, _):
        for j in range(4):
            b = i * 4 * _NLANE + j * _NLANE
            idx = nodes_v[pl.ds(b, _NLANE)]
            mval = mask_v[pl.ds(b, _NLANE)]
            valid = mval != 0.0
            w = enc_v[pl.ds(b, _NLANE)] >> 8
            plsc.addupdate_scatter(lens, [w], mval)
            plsc.addupdate_scatter(histT, [lane * V + idx], ones_i, mask=valid)
        return 0
    lax.fori_loop(0, NCH // 4, hist_body, 0)

    def seg_body(j, carry):
        b = j * _NLANE
        acc = histT[pl.ds(b, _NLANE)]
        for l in range(1, _NLANE):
            acc = acc + histT[pl.ds(l * V + b, _NLANE)]
        hist[pl.ds(b, _NLANE)] = acc
        cs = plsc.cumsum(acc)
        off = cs - acc + carry
        offs[pl.ds(b, _NLANE)] = off
        for l in range(_NLANE):
            pcur[pl.ds(l * V + b, _NLANE)] = off
            off = off + histT[pl.ds(l * V + b, _NLANE)]
        return carry + jnp.sum(acc)
    nvalid = lax.fori_loop(0, V // _NLANE, seg_body, jnp.int32(0))

    def place_body(i, _):
        for j in range(4):
            b = i * 4 * _NLANE + j * _NLANE
            idx = nodes_v[pl.ds(b, _NLANE)]
            valid = mask_v[pl.ds(b, _NLANE)] != 0.0
            ev = enc_v[pl.ds(b, _NLANE)]
            flat = lane * V + idx
            pos = plsc.load_gather(pcur, [flat], mask=valid)
            plsc.store_scatter(senc, [pos], ev, mask=valid)
            plsc.store_scatter(snode, [pos], idx, mask=valid)
            plsc.store_scatter(pcur, [flat], pos + 1, mask=valid)
        return 0
    lax.fori_loop(0, NCH // 4, place_body, 0)

    def invl_body(i, _):
        b = i * _NLANE
        lv = lens[pl.ds(b, _NLANE)]
        invl[pl.ds(b, _NLANE)] = 1.0 / jnp.maximum(lv, 1.0)
        return 0
    lax.fori_loop(0, W // _NLANE, invl_body, 0)

    def emit_body(i, _):
        b = i * _NLANE
        svec = b + lane
        act0 = svec < nvalid
        encs = senc[pl.ds(b, _NLANE)]
        vs = snode[pl.ds(b, _NLANE)]
        a = plsc.load_gather(offs, [vs], mask=act0)
        m = plsc.load_gather(hist, [vs], mask=act0)
        m = jnp.where(act0, m, 0)
        seg_ok = act0 & (m >= 2)
        mlen = jnp.max(m)
        cell0 = (encs >> 8) * W
        p20 = (encs & 255) * L

        def cond(c):
            return c[0] < mlen

        def body(c):
            k = c[0]
            for u in range(2):
                ku = k + u
                act = seg_ok & (ku < m)
                je = plsc.load_gather(senc, [a + ku], mask=act)
                kv = plsc.load_gather(ker_v, [p20 + (je & 255)], mask=act)
                plsc.addupdate_scatter(co, [cell0 + (je >> 8)], kv, mask=act)
            return (k + 2,)
        lax.while_loop(cond, body, (jnp.int32(0),))
        return 0
    lax.fori_loop(0, NCH, emit_body, 0)

    def ep_body(i, _):
        w1 = jnp.broadcast_to(i.astype(jnp.int32), (_NLANE,))
        il1 = plsc.load_gather(invl, [w1])
        for j in range(W // _NLANE):
            c0 = i * W + j * _NLANE
            x = co[pl.ds(c0, _NLANE)]
            il2 = invl[pl.ds(j * _NLANE, _NLANE)]
            y = x * il1 * il2
            y = jnp.clip(y, -10.0, 10.0)
            e = jnp.exp(2.0 * y)
            co[pl.ds(c0, _NLANE)] = 1.0 - 2.0 / (e + 1.0)
        return 0
    lax.fori_loop(0, W, ep_body, 0)
    pltpu.sync_copy(co, out_hbm.at[wid])


def kernel(anonymized_nodes, walk_masks, kernel):
    B, W, L = anonymized_nodes.shape
    N = W * L
    V = 1024
    info = plsc.get_sparse_core_info()
    NC = info.num_cores
    ker = jnp.clip(kernel[:L, :L], -10.0, 10.0).reshape(L * L)
    nodes_flat = anonymized_nodes.reshape(B, N)
    mask_flat = walk_masks.reshape(B, N)
    ar = jnp.arange(N, dtype=jnp.int32)
    enc = (ar // L) * 256 + (ar % L)

    mesh = plsc.VectorSubcoreMesh(core_axis_name="c", subcore_axis_name="s")
    body = functools.partial(_sc_body, W=W, L=L, NC=NC)
    run = pl.kernel(
        body,
        out_type=jax.ShapeDtypeStruct((B, W * W), jnp.float32),
        mesh=mesh,
        scratch_types=[
            pltpu.VMEM((N,), jnp.int32),
            pltpu.VMEM((N,), jnp.float32),
            pltpu.VMEM((L * L,), jnp.float32),
            pltpu.VMEM((N,), jnp.int32),
            pltpu.VMEM((_NLANE * V,), jnp.int32),
            pltpu.VMEM((V,), jnp.int32),
            pltpu.VMEM((V,), jnp.int32),
            pltpu.VMEM((_NLANE * V,), jnp.int32),
            pltpu.VMEM((N,), jnp.int32),
            pltpu.VMEM((N,), jnp.int32),
            pltpu.VMEM((W * W,), jnp.float32),
            pltpu.VMEM((W,), jnp.float32),
            pltpu.VMEM((W,), jnp.float32),
        ],
        compiler_params=pltpu.CompilerParams(needs_layout_passes=False),
    )
    out = run(nodes_flat, mask_flat, ker, enc)
    return out.reshape(B, W, W)

# --- scband reference (transcript-rebuilt; emitter-appended) ---
"""Pipeline reference for scband-cooccurrence-matrix-27943057228232 (READ-ONLY COPY).

The authoritative reference and input builder live on the scoring server;
editing this copy changes nothing except your own understanding.
"""

import jax, jax.numpy as jnp
import numpy as np

B, W, L = 32, 128, 20
MAX_WALK_LENGTH = 20
SIGMA = 2.0
N_NODE_IDS = 1000


def _make_kernel():
    positions = jnp.arange(MAX_WALK_LENGTH, dtype=jnp.float32)
    return jnp.exp(-((positions[None, :] - positions[:, None]) ** 2) / (SIGMA ** 2))


def setup_inputs(seed: int = 0) -> dict:
    key = jax.random.key(seed)
    k1, _ = jax.random.split(key)
    anonymized_nodes = jax.random.randint(k1, (B, W, L), 0, N_NODE_IDS, dtype=jnp.int32)
    walk_masks = jnp.ones((B, W, L), dtype=jnp.float32)
    kernel = _make_kernel()
    return {"anonymized_nodes": anonymized_nodes, "walk_masks": walk_masks, "kernel": kernel}


def reference(anonymized_nodes, walk_masks, kernel):
    Bd, Wd, Ld = anonymized_nodes.shape
    ker = kernel[:Ld, :Ld]

    pos_f = jnp.tile(jnp.arange(Ld, dtype=jnp.int32), Wd)
    walk_f = jnp.repeat(jnp.arange(Wd, dtype=jnp.int32), Ld)
    pos_c = jnp.clip(pos_f, 0, Ld - 1)
    walk_c = jnp.clip(walk_f, 0, Wd - 1)
    flat_idx = (walk_c[:, None] * Wd + walk_c[None, :]).reshape(-1)
    kvals = jnp.clip(ker[pos_c[:, None], pos_c[None, :]], -10.0, 10.0)

    def per_batch(args):
        nodes, mask = args
        nodes_f = nodes.reshape(-1)
        mask_f = (mask.reshape(-1) != 0)
        # pairs of occurrences sharing the same node id, both valid
        same = (nodes_f[:, None] == nodes_f[None, :]) & mask_f[:, None] & mask_f[None, :]
        # torch loop skips node-id segments of size < 2; for size>=2 it adds the
        # full outer product of kernel values (including the diagonal)
        count = jnp.sum(same.astype(jnp.int32), axis=1)
        pair_valid = same & (count[:, None] >= 2)
        contrib = jnp.where(pair_valid, kvals, 0.0)
        accum = jnp.zeros(Wd * Wd, dtype=jnp.float32).at[flat_idx].add(contrib.reshape(-1))
        return accum.reshape(Wd, Wd)

    cooccurrence = jax.lax.map(per_batch, (anonymized_nodes, walk_masks))

    walk_lens = jnp.sum(walk_masks, axis=-1).astype(jnp.float32)
    norm = walk_lens[..., :, None] * walk_lens[..., None, :]
    norm = jnp.clip(norm, 1e-06, None)
    valid_pairs = (walk_lens[..., :, None] > 0) & (walk_lens[..., None, :] > 0)
    cooccurrence = jnp.where(valid_pairs, cooccurrence / norm, jnp.zeros_like(cooccurrence))
    cooccurrence = jnp.clip(cooccurrence, -10.0, 10.0)
    cooccurrence = jnp.tanh(cooccurrence)
    cooccurrence = jnp.nan_to_num(cooccurrence, nan=0.0, posinf=10.0, neginf=-10.0)
    return cooccurrence

if __name__ == "__main__":
    import jax
    _d = setup_inputs()
    print(jax.jit(kernel)(*tuple(_d.values())))

</pallas_src>

<mosaic_0001>
#map = affine_map<(d0, d1) -> (0, 0)>
#map1 = affine_map<(d0, d1) -> (0)>
module attributes {stable_mosaic.version = 14 : i64} {
  func.func @_sc_body(%arg0: i32, %arg1: i32, %arg2: memref<32x2560xi32, #tpu.memory_space<hbm>>, %arg3: memref<32x2560xf32, #tpu.memory_space<hbm>>, %arg4: memref<400xf32, #tpu.memory_space<hbm>>, %arg5: memref<2560xi32, #tpu.memory_space<hbm>>, %arg6: memref<32x16384xf32, #tpu.memory_space<hbm>>, %arg7: memref<2560xi32, #tpu.memory_space<vmem>>, %arg8: memref<2560xf32, #tpu.memory_space<vmem>>, %arg9: memref<400xf32, #tpu.memory_space<vmem>>, %arg10: memref<2560xi32, #tpu.memory_space<vmem>>, %arg11: memref<16384xi32, #tpu.memory_space<vmem>>, %arg12: memref<1024xi32, #tpu.memory_space<vmem>>, %arg13: memref<1024xi32, #tpu.memory_space<vmem>>, %arg14: memref<16384xi32, #tpu.memory_space<vmem>>, %arg15: memref<2560xi32, #tpu.memory_space<vmem>>, %arg16: memref<2560xi32, #tpu.memory_space<vmem>>, %arg17: memref<16384xf32, #tpu.memory_space<vmem>>, %arg18: memref<128xf32, #tpu.memory_space<vmem>>, %arg19: memref<128xf32, #tpu.memory_space<vmem>>) attributes {dimension_semantics = [#tpu.dimension_semantics<core_parallel>, #tpu.dimension_semantics<subcore_parallel>], iteration_bounds = array<i64: 2, 16>, scalar_prefetch = 0 : i64, scratch_operands = 13 : i64, tpu.core_type = #tpu.core_type<sc_vector_subcore>, window_params = [{transform_indices = #map}, {transform_indices = #map}, {transform_indices = #map1}, {transform_indices = #map1}, {transform_indices = #map}]} {
    %mul3A = arith.constant 2 : i32
    %mul3A_0 = arith.muli %arg1, %mul3A : i32
    %add3A = arith.addi %mul3A_0, %arg0 : i32
    "tpu.region"() ({
      %run_scoped3A = tpu.sem_alloc : memref<!tpu.dma_semaphore, #tpu.memory_space<semaphore_mem>>
      %dma_start3A = arith.constant 0 : i32
      %dma_start3A_61 = tpu.memref_slice %arg2[%add3A, %dma_start3A] : memref<32x2560xi32, #tpu.memory_space<hbm>> -> memref<1x2560xi32, #tpu.memory_space<hbm>>
      %dma_start3A_62 = tpu.memref_squeeze %dma_start3A_61 : memref<1x2560xi32, #tpu.memory_space<hbm>> -> memref<2560xi32, #tpu.memory_space<hbm>>
      %dma_start3A_63 = arith.constant 0 : i32
      %dma_start3A_64 = tpu.memref_slice %arg2[%add3A, %dma_start3A_63] : memref<32x2560xi32, #tpu.memory_space<hbm>> -> memref<1x2560xi32, #tpu.memory_space<hbm>>
      %dma_start3A_65 = tpu.memref_squeeze %dma_start3A_64 : memref<1x2560xi32, #tpu.memory_space<hbm>> -> memref<2560xi32, #tpu.memory_space<hbm>>
      tpu.enqueue_dma source(%dma_start3A_65 : memref<2560xi32, #tpu.memory_space<hbm>>) target(%arg7 : memref<2560xi32, #tpu.memory_space<vmem>>) target_semaphore(%run_scoped3A : memref<!tpu.dma_semaphore, #tpu.memory_space<semaphore_mem>>)
      %dma_wait3A = arith.constant 0 : i32
      %dma_wait3A_66 = tpu.memref_slice %arg2[%add3A, %dma_wait3A] : memref<32x2560xi32, #tpu.memory_space<hbm>> -> memref<1x2560xi32, #tpu.memory_space<hbm>>
      %dma_wait3A_67 = tpu.memref_squeeze %dma_wait3A_66 : memref<1x2560xi32, #tpu.memory_space<hbm>> -> memref<2560xi32, #tpu.memory_space<hbm>>
      %dma_wait3A_68 = arith.constant 0 : i32
      %dma_wait3A_69 = tpu.memref_slice %arg2[%add3A, %dma_wait3A_68] : memref<32x2560xi32, #tpu.memory_space<hbm>> -> memref<1x2560xi32, #tpu.memory_space<hbm>>
      %dma_wait3A_70 = tpu.memref_squeeze %dma_wait3A_69 : memref<1x2560xi32, #tpu.memory_space<hbm>> -> memref<2560xi32, #tpu.memory_space<hbm>>
      tpu.wait_dma2 semaphore(%run_scoped3A : memref<!tpu.dma_semaphore, #tpu.memory_space<semaphore_mem>>) src(%dma_wait3A_70 : memref<2560xi32, #tpu.memory_space<hbm>>) dst(%arg7 : memref<2560xi32, #tpu.memory_space<vmem>>)
      tpu.yield
    }) : () -> ()
    "tpu.region"() ({
      %run_scoped3A = tpu.sem_alloc : memref<!tpu.dma_semaphore, #tpu.memory_space<semaphore_mem>>
      %dma_start3A = arith.constant 0 : i32
      %dma_start3A_61 = tpu.memref_slice %arg3[%add3A, %dma_start3A] : memref<32x2560xf32, #tpu.memory_space<hbm>> -> memref<1x2560xf32, #tpu.memory_space<hbm>>
      %dma_start3A_62 = tpu.memref_squeeze %dma_start3A_61 : memref<1x2560xf32, #tpu.memory_space<hbm>> -> memref<2560xf32, #tpu.memory_space<hbm>>
      %dma_start3A_63 = arith.constant 0 : i32
      %dma_start3A_64 = tpu.memref_slice %arg3[%add3A, %dma_start3A_63] : memref<32x2560xf32, #tpu.memory_space<hbm>> -> memref<1x2560xf32, #tpu.memory_space<hbm>>
      %dma_start3A_65 = tpu.memref_squeeze %dma_start3A_64 : memref<1x2560xf32, #tpu.memory_space<hbm>> -> memref<2560xf32, #tpu.memory_space<hbm>>
      tpu.enqueue_dma source(%dma_start3A_65 : memref<2560xf32, #tpu.memory_space<hbm>>) target(%arg8 : memref<2560xf32, #tpu.memory_space<vmem>>) target_semaphore(%run_scoped3A : memref<!tpu.dma_semaphore, #tpu.memory_space<semaphore_mem>>)
      %dma_wait3A = arith.constant 0 : i32
      %dma_wait3A_66 = tpu.memref_slice %arg3[%add3A, %dma_wait3A] : memref<32x2560xf32, #tpu.memory_space<hbm>> -> memref<1x2560xf32, #tpu.memory_space<hbm>>
      %dma_wait3A_67 = tpu.memref_squeeze %dma_wait3A_66 : memref<1x2560xf32, #tpu.memory_space<hbm>> -> memref<2560xf32, #tpu.memory_space<hbm>>
      %dma_wait3A_68 = arith.constant 0 : i32
      %dma_wait3A_69 = tpu.memref_slice %arg3[%add3A, %dma_wait3A_68] : memref<32x2560xf32, #tpu.memory_space<hbm>> -> memref<1x2560xf32, #tpu.memory_space<hbm>>
      %dma_wait3A_70 = tpu.memref_squeeze %dma_wait3A_69 : memref<1x2560xf32, #tpu.memory_space<hbm>> -> memref<2560xf32, #tpu.memory_space<hbm>>
      tpu.wait_dma2 semaphore(%run_scoped3A : memref<!tpu.dma_semaphore, #tpu.memory_space<semaphore_mem>>) src(%dma_wait3A_70 : memref<2560xf32, #tpu.memory_space<hbm>>) dst(%arg8 : memref<2560xf32, #tpu.memory_space<vmem>>)
      tpu.yield
    }) : () -> ()
    "tpu.region"() ({
      %run_scoped3A = tpu.sem_alloc : memref<!tpu.dma_semaphore, #tpu.memory_space<semaphore_mem>>
      tpu.enqueue_dma source(%arg4 : memref<400xf32, #tpu.memory_space<hbm>>) target(%arg9 : memref<400xf32, #tpu.memory_space<vmem>>) target_semaphore(%run_scoped3A : memref<!tpu.dma_semaphore, #tpu.memory_space<semaphore_mem>>)
      tpu.wait_dma2 semaphore(%run_scoped3A : memref<!tpu.dma_semaphore, #tpu.memory_space<semaphore_mem>>) src(%arg4 : memref<400xf32, #tpu.memory_space<hbm>>) dst(%arg9 : memref<400xf32, #tpu.memory_space<vmem>>)
      tpu.yield
    }) : () -> ()
    "tpu.region"() ({
      %run_scoped3A = tpu.sem_alloc : memref<!tpu.dma_semaphore, #tpu.memory_space<semaphore_mem>>
      tpu.enqueue_dma source(%arg5 : memref<2560xi32, #tpu.memory_space<hbm>>) target(%arg10 : memref<2560xi32, #tpu.memory_space<vmem>>) target_semaphore(%run_scoped3A : memref<!tpu.dma_semaphore, #tpu.memory_space<semaphore_mem>>)
      tpu.wait_dma2 semaphore(%run_scoped3A : memref<!tpu.dma_semaphore, #tpu.memory_space<semaphore_mem>>) src(%arg5 : memref<2560xi32, #tpu.memory_space<hbm>>) dst(%arg10 : memref<2560xi32, #tpu.memory_space<vmem>>)
      tpu.yield
    }) : () -> ()
    %iota3A = tpu.iota {dimensions = array<i32: 0>} : vector<16xi32>
    %broadcast_in_dim3A = arith.constant 0 : i32
    %broadcast_in_dim3A_1 = vector.broadcast %broadcast_in_dim3A : i32 to vector<16xi32>
    %broadcast_in_dim3A_2 = arith.constant 0.000000e+00 : f32
    %broadcast_in_dim3A_3 = vector.broadcast %broadcast_in_dim3A_2 : f32 to vector<16xf32>
    %scan3A = arith.constant 0 : i32
    %scan3A_4 = arith.constant 0 : i32
    %scan3A_5 = arith.constant 128 : i32
    %scan3A_6 = arith.addi %scan3A_4, %scan3A_5 : i32
    %scan3A_7 = arith.constant 1 : i32
    %scan3A_8 = scf.for %scan3A_61 = %scan3A_4 to %scan3A_6 step %scan3A_7 iter_args(%scan3A_62 = %scan3A) -> (i32)  : i32 {
      %mul3A_63 = arith.constant 128 : i32
      %mul3A_64 = arith.muli %scan3A_61, %mul3A_63 : i32
      %add3A_65 = arith.constant 0 : i32
      %add3A_66 = arith.addi %mul3A_64, %add3A_65 : i32
      %swap3A = arith.index_cast %add3A_66 : i32 to index
      %swap3A_67 = tpu.vector_load %arg17[%swap3A] {strides = array<i32>} : memref<16384xf32, #tpu.memory_space<vmem>>, vector<16xf32>,
      tpu.vector_store %arg17[%swap3A], %broadcast_in_dim3A_3 {strides = array<i32>} : memref<16384xf32, #tpu.memory_space<vmem>>, vector<16xf32>,
      %mul3A_68 = arith.constant 128 : i32
      %mul3A_69 = arith.muli %scan3A_61, %mul3A_68 : i32
      %add3A_70 = arith.constant 0 : i32
      %add3A_71 = arith.addi %mul3A_69, %add3A_70 : i32
      %swap3A_72 = arith.index_cast %add3A_71 : i32 to index
      %swap3A_73 = tpu.vector_load %arg11[%swap3A_72] {strides = array<i32>} : memref<16384xi32, #tpu.memory_space<vmem>>, vector<16xi32>,
      tpu.vector_store %arg11[%swap3A_72], %broadcast_in_dim3A_1 {strides = array<i32>} : memref<16384xi32, #tpu.memory_space<vmem>>, vector<16xi32>,
      %mul3A_74 = arith.constant 128 : i32
      %mul3A_75 = arith.muli %scan3A_61, %mul3A_74 : i32
      %add3A_76 = arith.constant 16 : i32
      %add3A_77 = arith.addi %mul3A_75, %add3A_76 : i32
      %swap3A_78 = arith.index_cast %add3A_77 : i32 to index
      %swap3A_79 = tpu.vector_load %arg17[%swap3A_78] {strides = array<i32>} : memref<16384xf32, #tpu.memory_space<vmem>>, vector<16xf32>,
      tpu.vector_store %arg17[%swap3A_78], %broadcast_in_dim3A_3 {strides = array<i32>} : memref<16384xf32, #tpu.memory_space<vmem>>, vector<16xf32>,
      %mul3A_80 = arith.constant 128 : i32
      %mul3A_81 = arith.muli %scan3A_61, %mul3A_80 : i32
      %add3A_82 = arith.constant 16 : i32
      %add3A_83 = arith.addi %mul3A_81, %add3A_82 : i32
      %swap3A_84 = arith.index_cast %add3A_83 : i32 to index
      %swap3A_85 = tpu.vector_load %arg11[%swap3A_84] {strides = array<i32>} : memref<16384xi32, #tpu.memory_space<vmem>>, vector<16xi32>,
      tpu.vector_store %arg11[%swap3A_84], %broadcast_in_dim3A_1 {strides = array<i32>} : memref<16384xi32, #tpu.memory_space<vmem>>, vector<16xi32>,
      %mul3A_86 = arith.constant 128 : i32
      %mul3A_87 = arith.muli %scan3A_61, %mul3A_86 : i32
      %add3A_88 = arith.constant 32 : i32
      %add3A_89 = arith.addi %mul3A_87, %add3A_88 : i32
      %swap3A_90 = arith.index_cast %add3A_89 : i32 to index
      %swap3A_91 = tpu.vector_load %arg17[%swap3A_90] {strides = array<i32>} : memref<16384xf32, #tpu.memory_space<vmem>>, vector<16xf32>,
      tpu.vector_store %arg17[%swap3A_90], %broadcast_in_dim3A_3 {strides = array<i32>} : memref<16384xf32, #tpu.memory_space<vmem>>, vector<16xf32>,
      %mul3A_92 = arith.constant 128 : i32
      %mul3A_93 = arith.muli %scan3A_61, %mul3A_92 : i32
      %add3A_94 = arith.constant 32 : i32
      %add3A_95 = arith.addi %mul3A_93, %add3A_94 : i32
      %swap3A_96 = arith.index_cast %add3A_95 : i32 to index
      %swap3A_97 = tpu.vector_load %arg11[%swap3A_96] {strides = array<i32>} : memref<16384xi32, #tpu.memory_space<vmem>>, vector<16xi32>,
      tpu.vector_store %arg11[%swap3A_96], %broadcast_in_dim3A_1 {strides = array<i32>} : memref<16384xi32, #tpu.memory_space<vmem>>, vector<16xi32>,
      %mul3A_98 = arith.constant 128 : i32
      %mul3A_99 = arith.muli %scan3A_61, %mul3A_98 : i32
      %add3A_100 = arith.constant 48 : i32
      %add3A_101 = arith.addi %mul3A_99, %add3A_100 : i32
      %swap3A_102 = arith.index_cast %add3A_101 : i32 to index
      %swap3A_103 = tpu.vector_load %arg17[%swap3A_102] {strides = array<i32>} : memref<16384xf32, #tpu.memory_space<vmem>>, vector<16xf32>,
      tpu.vector_store %arg17[%swap3A_102], %broadcast_in_dim3A_3 {strides = array<i32>} : memref<16384xf32, #tpu.memory_space<vmem>>, vector<16xf32>,
      %mul3A_104 = arith.constant 128 : i32
      %mul3A_105 = arith.muli %scan3A_61, %mul3A_104 : i32
      %add3A_106 = arith.constant 48 : i32
      %add3A_107 = arith.addi %mul3A_105, %add3A_106 : i32
      %swap3A_108 = arith.index_cast %add3A_107 : i32 to index
      %swap3A_109 = tpu.vector_load %arg11[%swap3A_108] {strides = array<i32>} : memref<16384xi32, #tpu.memory_space<vmem>>, vector<16xi32>,
      tpu.vector_store %arg11[%swap3A_108], %broadcast_in_dim3A_1 {strides = array<i32>} : memref<16384xi32, #tpu.memory_space<vmem>>, vector<16xi32>,
      %mul3A_110 = arith.constant 128 : i32
      %mul3A_111 = arith.muli %scan3A_61, %mul3A_110 : i32
      %add3A_112 = arith.constant 64 : i32
      %add3A_113 = arith.addi %mul3A_111, %add3A_112 : i32
      %swap3A_114 = arith.index_cast %add3A_113 : i32 to index
      %swap3A_115 = tpu.vector_load %arg17[%swap3A_114] {strides = array<i32>} : memref<16384xf32, #tpu.memory_space<vmem>>, vector<16xf32>,
      tpu.vector_store %arg17[%swap3A_114], %broadcast_in_dim3A_3 {strides = array<i32>} : memref<16384xf32, #tpu.memory_space<vmem>>, vector<16xf32>,
      %mul3A_116 = arith.constant 128 : i32
      %mul3A_117 = arith.muli %scan3A_61, %mul3A_116 : i32
      %add3A_118 = arith.constant 64 : i32
      %add3A_119 = arith.addi %mul3A_117, %add3A_118 : i32
      %swap3A_120 = arith.index_cast %add3A_119 : i32 to index
      %swap3A_121 = tpu.vector_load %arg11[%swap3A_120] {strides = array<i32>} : memref<16384xi32, #tpu.memory_space<vmem>>, vector<16xi32>,
      tpu.vector_store %arg11[%swap3A_120], %broadcast_in_dim3A_1 {strides = array<i32>} : memref<16384xi32, #tpu.memory_space<vmem>>, vector<16xi32>,
      %mul3A_122 = arith.constant 128 : i32
      %mul3A_123 = arith.muli %scan3A_61, %mul3A_122 : i32
      %add3A_124 = arith.constant 80 : i32
      %add3A_125 = arith.addi %mul3A_123, %add3A_124 : i32
      %swap3A_126 = arith.index_cast %add3A_125 : i32 to index
      %swap3A_127 = tpu.vector_load %arg17[%swap3A_126] {strides = array<i32>} : memref<16384xf32, #tpu.memory_space<vmem>>, vector<16xf32>,
      tpu.vector_store %arg17[%swap3A_126], %broadcast_in_dim3A_3 {strides = array<i32>} : memref<16384xf32, #tpu.memory_space<vmem>>, vector<16xf32>,
      %mul3A_128 = arith.constant 128 : i32
      %mul3A_129 = arith.muli %scan3A_61, %mul3A_128 : i32
      %add3A_130 = arith.constant 80 : i32
      %add3A_131 = arith.addi %mul3A_129, %add3A_130 : i32
      %swap3A_132 = arith.index_cast %add3A_131 : i32 to index
      %swap3A_133 = tpu.vector_load %arg11[%swap3A_132] {strides = array<i32>} : memref<16384xi32, #tpu.memory_space<vmem>>, vector<16xi32>,
      tpu.vector_store %arg11[%swap3A_132], %broadcast_in_dim3A_1 {strides = array<i32>} : memref<16384xi32, #tpu.memory_space<vmem>>, vector<16xi32>,
      %mul3A_134 = arith.constant 128 : i32
      %mul3A_135 = arith.muli %scan3A_61, %mul3A_134 : i32
      %add3A_136 = arith.constant 96 : i32
      %add3A_137 = arith.addi %mul3A_135, %add3A_136 : i32
      %swap3A_138 = arith.index_cast %add3A_137 : i32 to index
      %swap3A_139 = tpu.vector_load %arg17[%swap3A_138] {strides = array<i32>} : memref<16384xf32, #tpu.memory_space<vmem>>, vector<16xf32>,
      tpu.vector_store %arg17[%swap3A_138], %broadcast_in_dim3A_3 {strides = array<i32>} : memref<16384xf32, #tpu.memory_space<vmem>>, vector<16xf32>,
      %mul3A_140 = arith.constant 128 : i32
      %mul3A_141 = arith.muli %scan3A_61, %mul3A_140 : i32
      %add3A_142 = arith.constant 96 : i32
      %add3A_143 = arith.addi %mul3A_141, %add3A_142 : i32
      %swap3A_144 = arith.index_cast %add3A_143 : i32 to index
      %swap3A_145 = tpu.vector_load %arg11[%swap3A_144] {strides = array<i32>} : memref<16384xi32, #tpu.memory_space<vmem>>, vector<16xi32>,
      tpu.vector_store %arg11[%swap3A_144], %broadcast_in_dim3A_1 {strides = array<i32>} : memref<16384xi32, #tpu.memory_space<vmem>>, vector<16xi32>,
      %mul3A_146 = arith.constant 128 : i32
      %mul3A_147 = arith.muli %scan3A_61, %mul3A_146 : i32
      %add3A_148 = arith.constant 112 : i32
      %add3A_149 = arith.addi %mul3A_147, %add3A_148 : i32
      %swap3A_150 = arith.index_cast %add3A_149 : i32 to index
      %swap3A_151 = tpu.vector_load %arg17[%swap3A_150] {strides = array<i32>} : memref<16384xf32, #tpu.memory_space<vmem>>, vector<16xf32>,
      tpu.vector_store %arg17[%swap3A_150], %broadcast_in_dim3A_3 {strides = array<i32>} : memref<16384xf32, #tpu.memory_space<vmem>>, vector<16xf32>,
      %mul3A_152 = arith.constant 128 : i32
      %mul3A_153 = arith.muli %scan3A_61, %mul3A_152 : i32
      %add3A_154 = arith.constant 112 : i32
      %add3A_155 = arith.addi %mul3A_153, %add3A_154 : i32
      %swap3A_156 = arith.index_cast %add3A_155 : i32 to index
      %swap3A_157 = tpu.vector_load %arg11[%swap3A_156] {strides = array<i32>} : memref<16384xi32, #tpu.memory_space<vmem>>, vector<16xi32>,
      tpu.vector_store %arg11[%swap3A_156], %broadcast_in_dim3A_1 {strides = array<i32>} : memref<16384xi32, #tpu.memory_space<vmem>>, vector<16xi32>,
      %scan3A_158 = arith.constant 0 : i32
      scf.yield %scan3A_158 : i32
    }
    %scan3A_9 = arith.constant 128 : i32
    %scan3A_10 = arith.constant 0 : i32
    %scan3A_11 = arith.constant 0 : i32
    %scan3A_12 = arith.constant 8 : i32
    %scan3A_13 = arith.addi %scan3A_11, %scan3A_12 : i32
    %scan3A_14 = arith.constant 1 : i32
    %scan3A_15 = scf.for %scan3A_61 = %scan3A_11 to %scan3A_13 step %scan3A_14 iter_args(%scan3A_62 = %scan3A_10) -> (i32)  : i32 {
      %mul3A_63 = arith.constant 16 : i32
      %mul3A_64 = arith.muli %scan3A_61, %mul3A_63 : i32
      %swap3A = arith.index_cast %mul3A_64 : i32 to index
      %swap3A_65 = tpu.vector_load %arg18[%swap3A] {strides = array<i32>} : memref<128xf32, #tpu.memory_space<vmem>>, vector<16xf32>,
      tpu.vector_store %arg18[%swap3A], %broadcast_in_dim3A_3 {strides = array<i32>} : memref<128xf32, #tpu.memory_space<vmem>>, vector<16xf32>,
      %scan3A_66 = arith.constant 0 : i32
      scf.yield %scan3A_66 : i32
    }
    %scan3A_16 = arith.constant 8 : i32
    %broadcast_in_dim3A_17 = arith.constant 1 : i32
    %broadcast_in_dim3A_18 = vector.broadcast %broadcast_in_dim3A_17 : i32 to vector<16xi32>
    %scan3A_19 = arith.constant 0 : i32
    %scan3A_20 = arith.constant 0 : i32
    %scan3A_21 = arith.constant 40 : i32
    %scan3A_22 = arith.addi %scan3A_20, %scan3A_21 : i32
    %scan3A_23 = arith.constant 1 : i32
    %scan3A_24 = scf.for %scan3A_61 = %scan3A_20 to %scan3A_22 step %scan3A_23 iter_args(%scan3A_62 = %scan3A_19) -> (i32)  : i32 {
      %mul3A_63 = arith.constant 4 : i32
      %mul3A_64 = arith.muli %scan3A_61, %mul3A_63 : i32
      %mul3A_65 = arith.constant 16 : i32
      %mul3A_66 = arith.muli %mul3A_64, %mul3A_65 : i32
      %add3A_67 = arith.constant 0 : i32
      %add3A_68 = arith.addi %mul3A_66, %add3A_67 : i32
      %get3A = arith.index_cast %add3A_68 : i32 to index
      %get3A_69 = tpu.vector_load %arg7[%get3A] {strides = array<i32>} : memref<2560xi32, #tpu.memory_space<vmem>>, vector<16xi32>,
      %get3A_70 = arith.index_cast %add3A_68 : i32 to index
      %get3A_71 = tpu.vector_load %arg8[%get3A_70] {strides = array<i32>} : memref<2560xf32, #tpu.memory_space<vmem>>, vector<16xf32>,
      %ne3A = arith.constant 0.000000e+00 : f32
      %ne3A_72 = vector.broadcast %ne3A : f32 to vector<16xf32>
      %ne3A_73 = arith.cmpf one, %get3A_71, %ne3A_72 : vector<16xf32>
      %get3A_74 = arith.index_cast %add3A_68 : i32 to index
      %get3A_75 = tpu.vector_load %arg10[%get3A_74] {strides = array<i32>} : memref<2560xi32, #tpu.memory_space<vmem>>, vector<16xi32>,
      %shift_right_arithmetic3A = arith.constant 8 : i32
      %shift_right_arithmetic3A_76 = vector.broadcast %shift_right_arithmetic3A : i32 to vector<16xi32>
      %shift_right_arithmetic3A_77 = arith.shrsi %get3A_75, %shift_right_arithmetic3A_76 : vector<16xi32>
      tpu.vector_store_idx %arg18[%shift_right_arithmetic3A_77], %get3A_71 {add = true} : memref<128xf32, #tpu.memory_space<vmem>>[vector<16xi32>], vector<16xf32>,
      %mul3A_78 = arith.constant 1024 : i32
      %mul3A_79 = vector.broadcast %mul3A_78 : i32 to vector<16xi32>
      %mul3A_80 = arith.muli %iota3A, %mul3A_79 : vector<16xi32>
      %add3A_81 = arith.addi %mul3A_80, %get3A_69 : vector<16xi32>
      tpu.vector_store_idx %arg11[%add3A_81], %broadcast_in_dim3A_18 masked %ne3A_73 {add = true} : memref<16384xi32, #tpu.memory_space<vmem>>[vector<16xi32>], vector<16xi32>, vector<16xi1>
      %mul3A_82 = arith.constant 4 : i32
      %mul3A_83 = arith.muli %scan3A_61, %mul3A_82 : i32
      %mul3A_84 = arith.constant 16 : i32
      %mul3A_85 = arith.muli %mul3A_83, %mul3A_84 : i32
      %add3A_86 = arith.constant 16 : i32
      %add3A_87 = arith.addi %mul3A_85, %add3A_86 : i32
      %get3A_88 = arith.index_cast %add3A_87 : i32 to index
      %get3A_89 = tpu.vector_load %arg7[%get3A_88] {strides = array<i32>} : memref<2560xi32, #tpu.memory_space<vmem>>, vector<16xi32>,
      %get3A_90 = arith.index_cast %add3A_87 : i32 to index
      %get3A_91 = tpu.vector_load %arg8[%get3A_90] {strides = array<i32>} : memref<2560xf32, #tpu.memory_space<vmem>>, vector<16xf32>,
      %ne3A_92 = arith.constant 0.000000e+00 : f32
      %ne3A_93 = vector.broadcast %ne3A_92 : f32 to vector<16xf32>
      %ne3A_94 = arith.cmpf one, %get3A_91, %ne3A_93 : vector<16xf32>
      %get3A_95 = arith.index_cast %add3A_87 : i32 to index
      %get3A_96 = tpu.vector_load %arg10[%get3A_95] {strides = array<i32>} : memref<2560xi32, #tpu.memory_space<vmem>>, vector<16xi32>,
      %shift_right_arithmetic3A_97 = arith.constant 8 : i32
      %shift_right_arithmetic3A_98 = vector.broadcast %shift_right_arithmetic3A_97 : i32 to vector<16xi32>
      %shift_right_arithmetic3A_99 = arith.shrsi %get3A_96, %shift_right_arithmetic3A_98 : vector<16xi32>
      tpu.vector_store_idx %arg18[%shift_right_arithmetic3A_99], %get3A_91 {add = true} : memref<128xf32, #tpu.memory_space<vmem>>[vector<16xi32>], vector<16xf32>,
      %mul3A_100 = arith.constant 1024 : i32
      %mul3A_101 = vector.broadcast %mul3A_100 : i32 to vector<16xi32>
      %mul3A_102 = arith.muli %iota3A, %mul3A_101 : vector<16xi32>
      %add3A_103 = arith.addi %mul3A_102, %get3A_89 : vector<16xi32>
      tpu.vector_store_idx %arg11[%add3A_103], %broadcast_in_dim3A_18 masked %ne3A_94 {add = true} : memref<16384xi32, #tpu.memory_space<vmem>>[vector<16xi32>], vector<16xi32>, vector<16xi1>
      %mul3A_104 = arith.constant 4 : i32
      %mul3A_105 = arith.muli %scan3A_61, %mul3A_104 : i32
      %mul3A_106 = arith.constant 16 : i32
      %mul3A_107 = arith.muli %mul3A_105, %mul3A_106 : i32
      %add3A_108 = arith.constant 32 : i32
      %add3A_109 = arith.addi %mul3A_107, %add3A_108 : i32
      %get3A_110 = arith.index_cast %add3A_109 : i32 to index
      %get3A_111 = tpu.vector_load %arg7[%get3A_110] {strides = array<i32>} : memref<2560xi32, #tpu.memory_space<vmem>>, vector<16xi32>,
      %get3A_112 = arith.index_cast %add3A_109 : i32 to index
      %get3A_113 = tpu.vector_load %arg8[%get3A_112] {strides = array<i32>} : memref<2560xf32, #tpu.memory_space<vmem>>, vector<16xf32>,
      %ne3A_114 = arith.constant 0.000000e+00 : f32
      %ne3A_115 = vector.broadcast %ne3A_114 : f32 to vector<16xf32>
      %ne3A_116 = arith.cmpf one, %get3A_113, %ne3A_115 : vector<16xf32>
      %get3A_117 = arith.index_cast %add3A_109 : i32 to index
      %get3A_118 = tpu.vector_load %arg10[%get3A_117] {strides = array<i32>} : memref<2560xi32, #tpu.memory_space<vmem>>, vector<16xi32>,
      %shift_right_arithmetic3A_119 = arith.constant 8 : i32
      %shift_right_arithmetic3A_120 = vector.broadcast %shift_right_arithmetic3A_119 : i32 to vector<16xi32>
      %shift_right_arithmetic3A_121 = arith.shrsi %get3A_118, %shift_right_arithmetic3A_120 : vector<16xi32>
      tpu.vector_store_idx %arg18[%shift_right_arithmetic3A_121], %get3A_113 {add = true} : memref<128xf32, #tpu.memory_space<vmem>>[vector<16xi32>], vector<16xf32>,
      %mul3A_122 = arith.constant 1024 : i32
      %mul3A_123 = vector.broadcast %mul3A_122 : i32 to vector<16xi32>
      %mul3A_124 = arith.muli %iota3A, %mul3A_123 : vector<16xi32>
      %add3A_125 = arith.addi %mul3A_124, %get3A_111 : vector<16xi32>
      tpu.vector_store_idx %arg11[%add3A_125], %broadcast_in_dim3A_18 masked %ne3A_116 {add = true} : memref<16384xi32, #tpu.memory_space<vmem>>[vector<16xi32>], vector<16xi32>, vector<16xi1>
      %mul3A_126 = arith.constant 4 : i32
      %mul3A_127 = arith.muli %scan3A_61, %mul3A_126 : i32
      %mul3A_128 = arith.constant 16 : i32
      %mul3A_129 = arith.muli %mul3A_127, %mul3A_128 : i32
      %add3A_130 = arith.constant 48 : i32
      %add3A_131 = arith.addi %mul3A_129, %add3A_130 : i32
      %get3A_132 = arith.index_cast %add3A_131 : i32 to index
      %get3A_133 = tpu.vector_load %arg7[%get3A_132] {strides = array<i32>} : memref<2560xi32, #tpu.memory_space<vmem>>, vector<16xi32>,
      %get3A_134 = arith.index_cast %add3A_131 : i32 to index
      %get3A_135 = tpu.vector_load %arg8[%get3A_134] {strides = array<i32>} : memref<2560xf32, #tpu.memory_space<vmem>>, vector<16xf32>,
      %ne3A_136 = arith.constant 0.000000e+00 : f32
      %ne3A_137 = vector.broadcast %ne3A_136 : f32 to vector<16xf32>
      %ne3A_138 = arith.cmpf one, %get3A_135, %ne3A_137 : vector<16xf32>
      %get3A_139 = arith.index_cast %add3A_131 : i32 to index
      %get3A_140 = tpu.vector_load %arg10[%get3A_139] {strides = array<i32>} : memref<2560xi32, #tpu.memory_space<vmem>>, vector<16xi32>,
      %shift_right_arithmetic3A_141 = arith.constant 8 : i32
      %shift_right_arithmetic3A_142 = vector.broadcast %shift_right_arithmetic3A_141 : i32 to vector<16xi32>
      %shift_right_arithmetic3A_143 = arith.shrsi %get3A_140, %shift_right_arithmetic3A_142 : vector<16xi32>
      tpu.vector_store_idx %arg18[%shift_right_arithmetic3A_143], %get3A_135 {add = true} : memref<128xf32, #tpu.memory_space<vmem>>[vector<16xi32>], vector<16xf32>,
      %mul3A_144 = arith.constant 1024 : i32
      %mul3A_145 = vector.broadcast %mul3A_144 : i32 to vector<16xi32>
      %mul3A_146 = arith.muli %iota3A, %mul3A_145 : vector<16xi32>
      %add3A_147 = arith.addi %mul3A_146, %get3A_133 : vector<16xi32>
      tpu.vector_store_idx %arg11[%add3A_147], %broadcast_in_dim3A_18 masked %ne3A_138 {add = true} : memref<16384xi32, #tpu.memory_space<vmem>>[vector<16xi32>], vector<16xi32>, vector<16xi1>
      %scan3A_148 = arith.constant 0 : i32
      scf.yield %scan3A_148 : i32
    }
    %scan3A_25 = arith.constant 40 : i32
    %scan3A_26 = arith.constant 0 : i32
    %scan3A_27 = arith.constant 0 : i32
    %scan3A_28 = arith.constant 64 : i32
    %scan3A_29 = arith.addi %scan3A_27, %scan3A_28 : i32
    %scan3A_30 = arith.constant 1 : i32
    %scan3A_31 = scf.for %scan3A_61 = %scan3A_27 to %scan3A_29 step %scan3A_30 iter_args(%scan3A_62 = %scan3A_26) -> (i32)  : i32 {
      %mul3A_63 = arith.constant 16 : i32
      %mul3A_64 = arith.muli %scan3A_61, %mul3A_63 : i32
      %get3A = arith.index_cast %mul3A_64 : i32 to index
      %get3A_65 = tpu.vector_load %arg11[%get3A] {strides = array<i32>} : memref<16384xi32, #tpu.memory_space<vmem>>, vector<16xi32>,
      %add3A_66 = arith.constant 1024 : i32
      %add3A_67 = arith.addi %add3A_66, %mul3A_64 : i32
      %get3A_68 = arith.index_cast %add3A_67 : i32 to index
      %get3A_69 = tpu.vector_load %arg11[%get3A_68] {strides = array<i32>} : memref<16384xi32, #tpu.memory_space<vmem>>, vector<16xi32>,
      %add3A_70 = arith.addi %get3A_65, %get3A_69 : vector<16xi32>
      %add3A_71 = arith.constant 2048 : i32
      %add3A_72 = arith.addi %add3A_71, %mul3A_64 : i32
      %get3A_73 = arith.index_cast %add3A_72 : i32 to index
      %get3A_74 = tpu.vector_load %arg11[%get3A_73] {strides = array<i32>} : memref<16384xi32, #tpu.memory_space<vmem>>, vector<16xi32>,
      %add3A_75 = arith.addi %add3A_70, %get3A_74 : vector<16xi32>
      %add3A_76 = arith.constant 3072 : i32
      %add3A_77 = arith.addi %add3A_76, %mul3A_64 : i32
      %get3A_78 = arith.index_cast %add3A_77 : i32 to index
      %get3A_79 = tpu.vector_load %arg11[%get3A_78] {strides = array<i32>} : memref<16384xi32, #tpu.memory_space<vmem>>, vector<16xi32>,
      %add3A_80 = arith.addi %add3A_75, %get3A_79 : vector<16xi32>
      %add3A_81 = arith.constant 4096 : i32
      %add3A_82 = arith.addi %add3A_81, %mul3A_64 : i32
      %get3A_83 = arith.index_cast %add3A_82 : i32 to index
      %get3A_84 = tpu.vector_load %arg11[%get3A_83] {strides = array<i32>} : memref<16384xi32, #tpu.memory_space<vmem>>, vector<16xi32>,
      %add3A_85 = arith.addi %add3A_80, %get3A_84 : vector<16xi32>
      %add3A_86 = arith.constant 5120 : i32
      %add3A_87 = arith.addi %add3A_86, %mul3A_64 : i32
      %get3A_88 = arith.index_cast %add3A_87 : i32 to index
      %get3A_89 = tpu.vector_load %arg11[%get3A_88] {strides = array<i32>} : memref<16384xi32, #tpu.memory_space<vmem>>, vector<16xi32>,
      %add3A_90 = arith.addi %add3A_85, %get3A_89 : vector<16xi32>
      %add3A_91 = arith.constant 6144 : i32
      %add3A_92 = arith.addi %add3A_91, %mul3A_64 : i32
      %get3A_93 = arith.index_cast %add3A_92 : i32 to index
      %get3A_94 = tpu.vector_load %arg11[%get3A_93] {strides = array<i32>} : memref<16384xi32, #tpu.memory_space<vmem>>, vector<16xi32>,
      %add3A_95 = arith.addi %add3A_90, %get3A_94 : vector<16xi32>
      %add3A_96 = arith.constant 7168 : i32
      %add3A_97 = arith.addi %add3A_96, %mul3A_64 : i32
      %get3A_98 = arith.index_cast %add3A_97 : i32 to index
      %get3A_99 = tpu.vector_load %arg11[%get3A_98] {strides = array<i32>} : memref<16384xi32, #tpu.memory_space<vmem>>, vector<16xi32>,
      %add3A_100 = arith.addi %add3A_95, %get3A_99 : vector<16xi32>
      %add3A_101 = arith.constant 8192 : i32
      %add3A_102 = arith.addi %add3A_101, %mul3A_64 : i32
      %get3A_103 = arith.index_cast %add3A_102 : i32 to index
      %get3A_104 = tpu.vector_load %arg11[%get3A_103] {strides = array<i32>} : memref<16384xi32, #tpu.memory_space<vmem>>, vector<16xi32>,
      %add3A_105 = arith.addi %add3A_100, %get3A_104 : vector<16xi32>
      %add3A_106 = arith.constant 9216 : i32
      %add3A_107 = arith.addi %add3A_106, %mul3A_64 : i32
      %get3A_108 = arith.index_cast %add3A_107 : i32 to index
      %get3A_109 = tpu.vector_load %arg11[%get3A_108] {strides = array<i32>} : memref<16384xi32, #tpu.memory_space<vmem>>, vector<16xi32>,
      %add3A_110 = arith.addi %add3A_105, %get3A_109 : vector<16xi32>
      %add3A_111 = arith.constant 10240 : i32
      %add3A_112 = arith.addi %add3A_111, %mul3A_64 : i32
      %get3A_113 = arith.index_cast %add3A_112 : i32 to index
      %get3A_114 = tpu.vector_load %arg11[%get3A_113] {strides = array<i32>} : memref<16384xi32, #tpu.memory_space<vmem>>, vector<16xi32>,
      %add3A_115 = arith.addi %add3A_110, %get3A_114 : vector<16xi32>
      %add3A_116 = arith.constant 11264 : i32
      %add3A_117 = arith.addi %add3A_116, %mul3A_64 : i32
      %get3A_118 = arith.index_cast %add3A_117 : i32 to index
      %get3A_119 = tpu.vector_load %arg11[%get3A_118] {strides = array<i32>} : memref<16384xi32, #tpu.memory_space<vmem>>, vector<16xi32>,
      %add3A_120 = arith.addi %add3A_115, %get3A_119 : vector<16xi32>
      %add3A_121 = arith.constant 12288 : i32
      %add3A_122 = arith.addi %add3A_121, %mul3A_64 : i32
      %get3A_123 = arith.index_cast %add3A_122 : i32 to index
      %get3A_124 = tpu.vector_load %arg11[%get3A_123] {strides = array<i32>} : memref<16384xi32, #tpu.memory_space<vmem>>, vector<16xi32>,
      %add3A_125 = arith.addi %add3A_120, %get3A_124 : vector<16xi32>
      %add3A_126 = arith.constant 13312 : i32
      %add3A_127 = arith.addi %add3A_126, %mul3A_64 : i32
      %get3A_128 = arith.index_cast %add3A_127 : i32 to index
      %get3A_129 = tpu.vector_load %arg11[%get3A_128] {strides = array<i32>} : memref<16384xi32, #tpu.memory_space<vmem>>, vector<16xi32>,
      %add3A_130 = arith.addi %add3A_125, %get3A_129 : vector<16xi32>
      %add3A_131 = arith.constant 14336 : i32
      %add3A_132 = arith.addi %add3A_131, %mul3A_64 : i32
      %get3A_133 = arith.index_cast %add3A_132 : i32 to index
      %get3A_134 = tpu.vector_load %arg11[%get3A_133] {strides = array<i32>} : memref<16384xi32, #tpu.memory_space<vmem>>, vector<16xi32>,
      %add3A_135 = arith.addi %add3A_130, %get3A_134 : vector<16xi32>
      %add3A_136 = arith.constant 15360 : i32
      %add3A_137 = arith.addi %add3A_136, %mul3A_64 : i32
      %get3A_138 = arith.index_cast %add3A_137 : i32 to index
      %get3A_139 = tpu.vector_load %arg11[%get3A_138] {strides = array<i32>} : memref<16384xi32, #tpu.memory_space<vmem>>, vector<16xi32>,
      %add3A_140 = arith.addi %add3A_135, %get3A_139 : vector<16xi32>
      %swap3A = arith.index_cast %mul3A_64 : i32 to index
      %swap3A_141 = tpu.vector_load %arg12[%swap3A] {strides = array<i32>} : memref<1024xi32, #tpu.memory_space<vmem>>, vector<16xi32>,
      tpu.vector_store %arg12[%swap3A], %add3A_140 {strides = array<i32>} : memref<1024xi32, #tpu.memory_space<vmem>>, vector<16xi32>,
      %broadcast_in_dim3A_142 = arith.constant true
      %broadcast_in_dim3A_143 = vector.broadcast %broadcast_in_dim3A_142 : i1 to vector<16xi1>
      %masked_cumsum3A = tpu.scan <sum>, %add3A_140 masked %broadcast_in_dim3A_143 : vector<16xi32>, vector<16xi1> -> vector<16xi32>
      %sub3A = arith.subi %masked_cumsum3A, %add3A_140 : vector<16xi32>
      %add3A_144 = vector.broadcast %scan3A_62 : i32 to vector<16xi32>
      %add3A_145 = arith.addi %sub3A, %add3A_144 : vector<16xi32>
      %swap3A_146 = arith.index_cast %mul3A_64 : i32 to index
      %swap3A_147 = tpu.vector_load %arg13[%swap3A_146] {strides = array<i32>} : memref<1024xi32, #tpu.memory_space<vmem>>, vector<16xi32>,
      tpu.vector_store %arg13[%swap3A_146], %add3A_145 {strides = array<i32>} : memref<1024xi32, #tpu.memory_space<vmem>>, vector<16xi32>,
      %add3A_148 = arith.constant 0 : i32
      %add3A_149 = arith.addi %add3A_148, %mul3A_64 : i32
      %swap3A_150 = arith.index_cast %add3A_149 : i32 to index
      %swap3A_151 = tpu.vector_load %arg14[%swap3A_150] {strides = array<i32>} : memref<16384xi32, #tpu.memory_space<vmem>>, vector<16xi32>,
      tpu.vector_store %arg14[%swap3A_150], %add3A_145 {strides = array<i32>} : memref<16384xi32, #tpu.memory_space<vmem>>, vector<16xi32>,
      %add3A_152 = arith.constant 0 : i32
      %add3A_153 = arith.addi %add3A_152, %mul3A_64 : i32
      %get3A_154 = arith.index_cast %add3A_153 : i32 to index
      %get3A_155 = tpu.vector_load %arg11[%get3A_154] {strides = array<i32>} : memref<16384xi32, #tpu.memory_space<vmem>>, vector<16xi32>,
      %add3A_156 = arith.addi %add3A_145, %get3A_155 : vector<16xi32>
      %add3A_157 = arith.constant 1024 : i32
      %add3A_158 = arith.addi %add3A_157, %mul3A_64 : i32
      %swap3A_159 = arith.index_cast %add3A_158 : i32 to index
      %swap3A_160 = tpu.vector_load %arg14[%swap3A_159] {strides = array<i32>} : memref<16384xi32, #tpu.memory_space<vmem>>, vector<16xi32>,
      tpu.vector_store %arg14[%swap3A_159], %add3A_156 {strides = array<i32>} : memref<16384xi32, #tpu.memory_space<vmem>>, vector<16xi32>,
      %add3A_161 = arith.constant 1024 : i32
      %add3A_162 = arith.addi %add3A_161, %mul3A_64 : i32
      %get3A_163 = arith.index_cast %add3A_162 : i32 to index
      %get3A_164 = tpu.vector_load %arg11[%get3A_163] {strides = array<i32>} : memref<16384xi32, #tpu.memory_space<vmem>>, vector<16xi32>,
      %add3A_165 = arith.addi %add3A_156, %get3A_164 : vector<16xi32>
      %add3A_166 = arith.constant 2048 : i32
      %add3A_167 = arith.addi %add3A_166, %mul3A_64 : i32
      %swap3A_168 = arith.index_cast %add3A_167 : i32 to index
      %swap3A_169 = tpu.vector_load %arg14[%swap3A_168] {strides = array<i32>} : memref<16384xi32, #tpu.memory_space<vmem>>, vector<16xi32>,
      tpu.vector_store %arg14[%swap3A_168], %add3A_165 {strides = array<i32>} : memref<16384xi32, #tpu.memory_space<vmem>>, vector<16xi32>,
      %add3A_170 = arith.constant 2048 : i32
      %add3A_171 = arith.addi %add3A_170, %mul3A_64 : i32
      %get3A_172 = arith.index_cast %add3A_171 : i32 to index
      %get3A_173 = tpu.vector_load %arg11[%get3A_172] {strides = array<i32>} : memref<16384xi32, #tpu.memory_space<vmem>>, vector<16xi32>,
      %add3A_174 = arith.addi %add3A_165, %get3A_173 : vector<16xi32>
      %add3A_175 = arith.constant 3072 : i32
      %add3A_176 = arith.addi %add3A_175, %mul3A_64 : i32
      %swap3A_177 = arith.index_cast %add3A_176 : i32 to index
      %swap3A_178 = tpu.vector_load %arg14[%swap3A_177] {strides = array<i32>} : memref<16384xi32, #tpu.memory_space<vmem>>, vector<16xi32>,
      tpu.vector_store %arg14[%swap3A_177], %add3A_174 {strides = array<i32>} : memref<16384xi32, #tpu.memory_space<vmem>>, vector<16xi32>,
      %add3A_179 = arith.constant 3072 : i32
      %add3A_180 = arith.addi %add3A_179, %mul3A_64 : i32
      %get3A_181 = arith.index_cast %add3A_180 : i32 to index
      %get3A_182 = tpu.vector_load %arg11[%get3A_181] {strides = array<i32>} : memref<16384xi32, #tpu.memory_space<vmem>>, vector<16xi32>,
      %add3A_183 = arith.addi %add3A_174, %get3A_182 : vector<16xi32>
      %add3A_184 = arith.constant 4096 : i32
      %add3A_185 = arith.addi %add3A_184, %mul3A_64 : i32
      %swap3A_186 = arith.index_cast %add3A_185 : i32 to index
      %swap3A_187 = tpu.vector_load %arg14[%swap3A_186] {strides = array<i32>} : memref<16384xi32, #tpu.memory_space<vmem>>, vector<16xi32>,
      tpu.vector_store %arg14[%swap3A_186], %add3A_183 {strides = array<i32>} : memref<16384xi32, #tpu.memory_space<vmem>>, vector<16xi32>,
      %add3A_188 = arith.constant 4096 : i32
      %add3A_189 = arith.addi %add3A_188, %mul3A_64 : i32
      %get3A_190 = arith.index_cast %add3A_189 : i32 to index
      %get3A_191 = tpu.vector_load %arg11[%get3A_190] {strides = array<i32>} : memref<16384xi32, #tpu.memory_space<vmem>>, vector<16xi32>,
      %add3A_192 = arith.addi %add3A_183, %get3A_191 : vector<16xi32>
      %add3A_193 = arith.constant 5120 : i32
      %add3A_194 = arith.addi %add3A_193, %mul3A_64 : i32
      %swap3A_195 = arith.index_cast %add3A_194 : i32 to index
      %swap3A_196 = tpu.vector_load %arg14[%swap3A_195] {strides = array<i32>} : memref<16384xi32, #tpu.memory_space<vmem>>, vector<16xi32>,
      tpu.vector_store %arg14[%swap3A_195], %add3A_192 {strides = array<i32>} : memref<16384xi32, #tpu.memory_space<vmem>>, vector<16xi32>,
      %add3A_197 = arith.constant 5120 : i32
      %add3A_198 = arith.addi %add3A_197, %mul3A_64 : i32
      %get3A_199 = arith.index_cast %add3A_198 : i32 to index
      %get3A_200 = tpu.vector_load %arg11[%get3A_199] {strides = array<i32>} : memref<16384xi32, #tpu.memory_space<vmem>>, vector<16xi32>,
      %add3A_201 = arith.addi %add3A_192, %get3A_200 : vector<16xi32>
      %add3A_202 = arith.constant 6144 : i32
      %add3A_203 = arith.addi %add3A_202, %mul3A_64 : i32
      %swap3A_204 = arith.index_cast %add3A_203 : i32 to index
      %swap3A_205 = tpu.vector_load %arg14[%swap3A_204] {strides = array<i32>} : memref<16384xi32, #tpu.memory_space<vmem>>, vector<16xi32>,
      tpu.vector_store %arg14[%swap3A_204], %add3A_201 {strides = array<i32>} : memref<16384xi32, #tpu.memory_space<vmem>>, vector<16xi32>,
      %add3A_206 = arith.constant 6144 : i32
      %add3A_207 = arith.addi %add3A_206, %mul3A_64 : i32
      %get3A_208 = arith.index_cast %add3A_207 : i32 to index
      %get3A_209 = tpu.vector_load %arg11[%get3A_208] {strides = array<i32>} : memref<16384xi32, #tpu.memory_space<vmem>>, vector<16xi32>,
      %add3A_210 = arith.addi %add3A_201, %get3A_209 : vector<16xi32>
      %add3A_211 = arith.constant 7168 : i32
      %add3A_212 = arith.addi %add3A_211, %mul3A_64 : i32
      %swap3A_213 = arith.index_cast %add3A_212 : i32 to index
      %swap3A_214 = tpu.vector_load %arg14[%swap3A_213] {strides = array<i32>} : memref<16384xi32, #tpu.memory_space<vmem>>, vector<16xi32>,
      tpu.vector_store %arg14[%swap3A_213], %add3A_210 {strides = array<i32>} : memref<16384xi32, #tpu.memory_space<vmem>>, vector<16xi32>,
      %add3A_215 = arith.constant 7168 : i32
      %add3A_216 = arith.addi %add3A_215, %mul3A_64 : i32
      %get3A_217 = arith.index_cast %add3A_216 : i32 to index
      %get3A_218 = tpu.vector_load %arg11[%get3A_217] {strides = array<i32>} : memref<16384xi32, #tpu.memory_space<vmem>>, vector<16xi32>,
      %add3A_219 = arith.addi %add3A_210, %get3A_218 : vector<16xi32>
      %add3A_220 = arith.constant 8192 : i32
      %add3A_221 = arith.addi %add3A_220, %mul3A_64 : i32
      %swap3A_222 = arith.index_cast %add3A_221 : i32 to index
      %swap3A_223 = tpu.vector_load %arg14[%swap3A_222] {strides = array<i32>} : memref<16384xi32, #tpu.memory_space<vmem>>, vector<16xi32>,
      tpu.vector_store %arg14[%swap3A_222], %add3A_219 {strides = array<i32>} : memref<16384xi32, #tpu.memory_space<vmem>>, vector<16xi32>,
      %add3A_224 = arith.constant 8192 : i32
      %add3A_225 = arith.addi %add3A_224, %mul3A_64 : i32
      %get3A_226 = arith.index_cast %add3A_225 : i32 to index
      %get3A_227 = tpu.vector_load %arg11[%get3A_226] {strides = array<i32>} : memref<16384xi32, #tpu.memory_space<vmem>>, vector<16xi32>,
      %add3A_228 = arith.addi %add3A_219, %get3A_227 : vector<16xi32>
      %add3A_229 = arith.constant 9216 : i32
      %add3A_230 = arith.addi %add3A_229, %mul3A_64 : i32
      %swap3A_231 = arith.index_cast %add3A_230 : i32 to index
      %swap3A_232 = tpu.vector_load %arg14[%swap3A_231] {strides = array<i32>} : memref<16384xi32, #tpu.memory_space<vmem>>, vector<16xi32>,
      tpu.vector_store %arg14[%swap3A_231], %add3A_228 {strides = array<i32>} : memref<16384xi32, #tpu.memory_space<vmem>>, vector<16xi32>,
      %add3A_233 = arith.constant 9216 : i32
      %add3A_234 = arith.addi %add3A_233, %mul3A_64 : i32
      %get3A_235 = arith.index_cast %add3A_234 : i32 to index
      %get3A_236 = tpu.vector_load %arg11[%get3A_235] {strides = array<i32>} : memref<16384xi32, #tpu.memory_space<vmem>>, vector<16xi32>,
      %add3A_237 = arith.addi %add3A_228, %get3A_236 : vector<16xi32>
      %add3A_238 = arith.constant 10240 : i32
      %add3A_239 = arith.addi %add3A_238, %mul3A_64 : i32
      %swap3A_240 = arith.index_cast %add3A_239 : i32 to index
      %swap3A_241 = tpu.vector_load %arg14[%swap3A_240] {strides = array<i32>} : memref<16384xi32, #tpu.memory_space<vmem>>, vector<16xi32>,
      tpu.vector_store %arg14[%swap3A_240], %add3A_237 {strides = array<i32>} : memref<16384xi32, #tpu.memory_space<vmem>>, vector<16xi32>,
      %add3A_242 = arith.constant 10240 : i32
      %add3A_243 = arith.addi %add3A_242, %mul3A_64 : i32
      %get3A_244 = arith.index_cast %add3A_243 : i32 to index
      %get3A_245 = tpu.vector_load %arg11[%get3A_244] {strides = array<i32>} : memref<16384xi32, #tpu.memory_space<vmem>>, vector<16xi32>,
      %add3A_246 = arith.addi %add3A_237, %get3A_245 : vector<16xi32>
      %add3A_247 = arith.constant 11264 : i32
      %add3A_248 = arith.addi %add3A_247, %mul3A_64 : i32
      %swap3A_249 = arith.index_cast %add3A_248 : i32 to index
      %swap3A_250 = tpu.vector_load %arg14[%swap3A_249] {strides = array<i32>} : memref<16384xi32, #tpu.memory_space<vmem>>, vector<16xi32>,
      tpu.vector_store %arg14[%swap3A_249], %add3A_246 {strides = array<i32>} : memref<16384xi32, #tpu.memory_space<vmem>>, vector<16xi32>,
      %add3A_251 = arith.constant 11264 : i32
      %add3A_252 = arith.addi %add3A_251, %mul3A_64 : i32
      %get3A_253 = arith.index_cast %add3A_252 : i32 to index
      %get3A_254 = tpu.vector_load %arg11[%get3A_253] {strides = array<i32>} : memref<16384xi32, #tpu.memory_space<vmem>>, vector<16xi32>,
      %add3A_255 = arith.addi %add3A_246, %get3A_254 : vector<16xi32>
      %add3A_256 = arith.constant 12288 : i32
      %add3A_257 = arith.addi %add3A_256, %mul3A_64 : i32
      %swap3A_258 = arith.index_cast %add3A_257 : i32 to index
      %swap3A_259 = tpu.vector_load %arg14[%swap3A_258] {strides = array<i32>} : memref<16384xi32, #tpu.memory_space<vmem>>, vector<16xi32>,
      tpu.vector_store %arg14[%swap3A_258], %add3A_255 {strides = array<i32>} : memref<16384xi32, #tpu.memory_space<vmem>>, vector<16xi32>,
      %add3A_260 = arith.constant 12288 : i32
      %add3A_261 = arith.addi %add3A_260, %mul3A_64 : i32
      %get3A_262 = arith.index_cast %add3A_261 : i32 to index
      %get3A_263 = tpu.vector_load %arg11[%get3A_262] {strides = array<i32>} : memref<16384xi32, #tpu.memory_space<vmem>>, vector<16xi32>,
      %add3A_264 = arith.addi %add3A_255, %get3A_263 : vector<16xi32>
      %add3A_265 = arith.constant 13312 : i32
      %add3A_266 = arith.addi %add3A_265, %mul3A_64 : i32
      %swap3A_267 = arith.index_cast %add3A_266 : i32 to index
      %swap3A_268 = tpu.vector_load %arg14[%swap3A_267] {strides = array<i32>} : memref<16384xi32, #tpu.memory_space<vmem>>, vector<16xi32>,
      tpu.vector_store %arg14[%swap3A_267], %add3A_264 {strides = array<i32>} : memref<16384xi32, #tpu.memory_space<vmem>>, vector<16xi32>,
      %add3A_269 = arith.constant 13312 : i32
      %add3A_270 = arith.addi %add3A_269, %mul3A_64 : i32
      %get3A_271 = arith.index_cast %add3A_270 : i32 to index
      %get3A_272 = tpu.vector_load %arg11[%get3A_271] {strides = array<i32>} : memref<16384xi32, #tpu.memory_space<vmem>>, vector<16xi32>,
      %add3A_273 = arith.addi %add3A_264, %get3A_272 : vector<16xi32>
      %add3A_274 = arith.constant 14336 : i32
      %add3A_275 = arith.addi %add3A_274, %mul3A_64 : i32
      %swap3A_276 = arith.index_cast %add3A_275 : i32 to index
      %swap3A_277 = tpu.vector_load %arg14[%swap3A_276] {strides = array<i32>} : memref<16384xi32, #tpu.memory_space<vmem>>, vector<16xi32>,
      tpu.vector_store %arg14[%swap3A_276], %add3A_273 {strides = array<i32>} : memref<16384xi32, #tpu.memory_space<vmem>>, vector<16xi32>,
      %add3A_278 = arith.constant 14336 : i32
      %add3A_279 = arith.addi %add3A_278, %mul3A_64 : i32
      %get3A_280 = arith.index_cast %add3A_279 : i32 to index
      %get3A_281 = tpu.vector_load %arg11[%get3A_280] {strides = array<i32>} : memref<16384xi32, #tpu.memory_space<vmem>>, vector<16xi32>,
      %add3A_282 = arith.addi %add3A_273, %get3A_281 : vector<16xi32>
      %add3A_283 = arith.constant 15360 : i32
      %add3A_284 = arith.addi %add3A_283, %mul3A_64 : i32
      %swap3A_285 = arith.index_cast %add3A_284 : i32 to index
      %swap3A_286 = tpu.vector_load %arg14[%swap3A_285] {strides = array<i32>} : memref<16384xi32, #tpu.memory_space<vmem>>, vector<16xi32>,
      tpu.vector_store %arg14[%swap3A_285], %add3A_282 {strides = array<i32>} : memref<16384xi32, #tpu.memory_space<vmem>>, vector<16xi32>,
      %add3A_287 = arith.constant 15360 : i32
      %add3A_288 = arith.addi %add3A_287, %mul3A_64 : i32
      %get3A_289 = arith.index_cast %add3A_288 : i32 to index
      %get3A_290 = tpu.vector_load %arg11[%get3A_289] {strides = array<i32>} : memref<16384xi32, #tpu.memory_space<vmem>>, vector<16xi32>,
      %add3A_291 = arith.addi %add3A_282, %get3A_290 : vector<16xi32>
      %reduce_sum3A = arith.constant true
      %reduce_sum3A_292 = vector.broadcast %reduce_sum3A : i1 to vector<16xi1>
      %reduce_sum3A_293 = tpu.scan <sum>, %add3A_140 masked %reduce_sum3A_292 : vector<16xi32>, vector<16xi1> -> vector<16xi32>
      %reduce_sum3A_294 = vector.extract %reduce_sum3A_293[15] : i32 from vector<16xi32>
      %add3A_295 = arith.addi %scan3A_62, %reduce_sum3A_294 : i32
      scf.yield %add3A_295 : i32
    }
    %scan3A_32 = arith.constant 64 : i32
    %scan3A_33 = arith.constant 0 : i32
    %scan3A_34 = arith.constant 0 : i32
    %scan3A_35 = arith.constant 40 : i32
    %scan3A_36 = arith.addi %scan3A_34, %scan3A_35 : i32
    %scan3A_37 = arith.constant 1 : i32
    %scan3A_38 = scf.for %scan3A_61 = %scan3A_34 to %scan3A_36 step %scan3A_37 iter_args(%scan3A_62 = %scan3A_33) -> (i32)  : i32 {
      %mul3A_63 = arith.constant 4 : i32
      %mul3A_64 = arith.muli %scan3A_61, %mul3A_63 : i32
      %mul3A_65 = arith.constant 16 : i32
      %mul3A_66 = arith.muli %mul3A_64, %mul3A_65 : i32
      %add3A_67 = arith.constant 0 : i32
      %add3A_68 = arith.addi %mul3A_66, %add3A_67 : i32
      %get3A = arith.index_cast %add3A_68 : i32 to index
      %get3A_69 = tpu.vector_load %arg7[%get3A] {strides = array<i32>} : memref<2560xi32, #tpu.memory_space<vmem>>, vector<16xi32>,
      %get3A_70 = arith.index_cast %add3A_68 : i32 to index
      %get3A_71 = tpu.vector_load %arg8[%get3A_70] {strides = array<i32>} : memref<2560xf32, #tpu.memory_space<vmem>>, vector<16xf32>,
      %ne3A = arith.constant 0.000000e+00 : f32
      %ne3A_72 = vector.broadcast %ne3A : f32 to vector<16xf32>
      %ne3A_73 = arith.cmpf one, %get3A_71, %ne3A_72 : vector<16xf32>
      %get3A_74 = arith.index_cast %add3A_68 : i32 to index
      %get3A_75 = tpu.vector_load %arg10[%get3A_74] {strides = array<i32>} : memref<2560xi32, #tpu.memory_space<vmem>>, vector<16xi32>,
      %mul3A_76 = arith.constant 1024 : i32
      %mul3A_77 = vector.broadcast %mul3A_76 : i32 to vector<16xi32>
      %mul3A_78 = arith.muli %iota3A, %mul3A_77 : vector<16xi32>
      %add3A_79 = arith.addi %mul3A_78, %get3A_69 : vector<16xi32>
      %gather3A = tpu.vector_load_idx %arg14[%add3A_79] masked %ne3A_73 : memref<16384xi32, #tpu.memory_space<vmem>>[vector<16xi32>], vector<16xi32>, vector<16xi1>
      tpu.vector_store_idx %arg15[%gather3A], %get3A_75 masked %ne3A_73 : memref<2560xi32, #tpu.memory_space<vmem>>[vector<16xi32>], vector<16xi32>, vector<16xi1>
      tpu.vector_store_idx %arg16[%gather3A], %get3A_69 masked %ne3A_73 : memref<2560xi32, #tpu.memory_space<vmem>>[vector<16xi32>], vector<16xi32>, vector<16xi1>
      %add3A_80 = arith.constant 1 : i32
      %add3A_81 = vector.broadcast %add3A_80 : i32 to vector<16xi32>
      %add3A_82 = arith.addi %gather3A, %add3A_81 : vector<16xi32>
      tpu.vector_store_idx %arg14[%add3A_79], %add3A_82 masked %ne3A_73 : memref<16384xi32, #tpu.memory_space<vmem>>[vector<16xi32>], vector<16xi32>, vector<16xi1>
      %mul3A_83 = arith.constant 4 : i32
      %mul3A_84 = arith.muli %scan3A_61, %mul3A_83 : i32
      %mul3A_85 = arith.constant 16 : i32
      %mul3A_86 = arith.muli %mul3A_84, %mul3A_85 : i32
      %add3A_87 = arith.constant 16 : i32
      %add3A_88 = arith.addi %mul3A_86, %add3A_87 : i32
      %get3A_89 = arith.index_cast %add3A_88 : i32 to index
      %get3A_90 = tpu.vector_load %arg7[%get3A_89] {strides = array<i32>} : memref<2560xi32, #tpu.memory_space<vmem>>, vector<16xi32>,
      %get3A_91 = arith.index_cast %add3A_88 : i32 to index
      %get3A_92 = tpu.vector_load %arg8[%get3A_91] {strides = array<i32>} : memref<2560xf32, #tpu.memory_space<vmem>>, vector<16xf32>,
      %ne3A_93 = arith.constant 0.000000e+00 : f32
      %ne3A_94 = vector.broadcast %ne3A_93 : f32 to vector<16xf32>
      %ne3A_95 = arith.cmpf one, %get3A_92, %ne3A_94 : vector<16xf32>
      %get3A_96 = arith.index_cast %add3A_88 : i32 to index
      %get3A_97 = tpu.vector_load %arg10[%get3A_96] {strides = array<i32>} : memref<2560xi32, #tpu.memory_space<vmem>>, vector<16xi32>,
      %mul3A_98 = arith.constant 1024 : i32
      %mul3A_99 = vector.broadcast %mul3A_98 : i32 to vector<16xi32>
      %mul3A_100 = arith.muli %iota3A, %mul3A_99 : vector<16xi32>
      %add3A_101 = arith.addi %mul3A_100, %get3A_90 : vector<16xi32>
      %gather3A_102 = tpu.vector_load_idx %arg14[%add3A_101] masked %ne3A_95 : memref<16384xi32, #tpu.memory_space<vmem>>[vector<16xi32>], vector<16xi32>, vector<16xi1>
      tpu.vector_store_idx %arg15[%gather3A_102], %get3A_97 masked %ne3A_95 : memref<2560xi32, #tpu.memory_space<vmem>>[vector<16xi32>], vector<16xi32>, vector<16xi1>
      tpu.vector_store_idx %arg16[%gather3A_102], %get3A_90 masked %ne3A_95 : memref<2560xi32, #tpu.memory_space<vmem>>[vector<16xi32>], vector<16xi32>, vector<16xi1>
      %add3A_103 = arith.constant 1 : i32
      %add3A_104 = vector.broadcast %add3A_103 : i32 to vector<16xi32>
      %add3A_105 = arith.addi %gather3A_102, %add3A_104 : vector<16xi32>
      tpu.vector_store_idx %arg14[%add3A_101], %add3A_105 masked %ne3A_95 : memref<16384xi32, #tpu.memory_space<vmem>>[vector<16xi32>], vector<16xi32>, vector<16xi1>
      %mul3A_106 = arith.constant 4 : i32
      %mul3A_107 = arith.muli %scan3A_61, %mul3A_106 : i32
      %mul3A_108 = arith.constant 16 : i32
      %mul3A_109 = arith.muli %mul3A_107, %mul3A_108 : i32
      %add3A_110 = arith.constant 32 : i32
      %add3A_111 = arith.addi %mul3A_109, %add3A_110 : i32
      %get3A_112 = arith.index_cast %add3A_111 : i32 to index
      %get3A_113 = tpu.vector_load %arg7[%get3A_112] {strides = array<i32>} : memref<2560xi32, #tpu.memory_space<vmem>>, vector<16xi32>,
      %get3A_114 = arith.index_cast %add3A_111 : i32 to index
      %get3A_115 = tpu.vector_load %arg8[%get3A_114] {strides = array<i32>} : memref<2560xf32, #tpu.memory_space<vmem>>, vector<16xf32>,
      %ne3A_116 = arith.constant 0.000000e+00 : f32
      %ne3A_117 = vector.broadcast %ne3A_116 : f32 to vector<16xf32>
      %ne3A_118 = arith.cmpf one, %get3A_115, %ne3A_117 : vector<16xf32>
      %get3A_119 = arith.index_cast %add3A_111 : i32 to index
      %get3A_120 = tpu.vector_load %arg10[%get3A_119] {strides = array<i32>} : memref<2560xi32, #tpu.memory_space<vmem>>, vector<16xi32>,
      %mul3A_121 = arith.constant 1024 : i32
      %mul3A_122 = vector.broadcast %mul3A_121 : i32 to vector<16xi32>
      %mul3A_123 = arith.muli %iota3A, %mul3A_122 : vector<16xi32>
      %add3A_124 = arith.addi %mul3A_123, %get3A_113 : vector<16xi32>
      %gather3A_125 = tpu.vector_load_idx %arg14[%add3A_124] masked %ne3A_118 : memref<16384xi32, #tpu.memory_space<vmem>>[vector<16xi32>], vector<16xi32>, vector<16xi1>
      tpu.vector_store_idx %arg15[%gather3A_125], %get3A_120 masked %ne3A_118 : memref<2560xi32, #tpu.memory_space<vmem>>[vector<16xi32>], vector<16xi32>, vector<16xi1>
      tpu.vector_store_idx %arg16[%gather3A_125], %get3A_113 masked %ne3A_118 : memref<2560xi32, #tpu.memory_space<vmem>>[vector<16xi32>], vector<16xi32>, vector<16xi1>
      %add3A_126 = arith.constant 1 : i32
      %add3A_127 = vector.broadcast %add3A_126 : i32 to vector<16xi32>
      %add3A_128 = arith.addi %gather3A_125, %add3A_127 : vector<16xi32>
      tpu.vector_store_idx %arg14[%add3A_124], %add3A_128 masked %ne3A_118 : memref<16384xi32, #tpu.memory_space<vmem>>[vector<16xi32>], vector<16xi32>, vector<16xi1>
      %mul3A_129 = arith.constant 4 : i32
      %mul3A_130 = arith.muli %scan3A_61, %mul3A_129 : i32
      %mul3A_131 = arith.constant 16 : i32
      %mul3A_132 = arith.muli %mul3A_130, %mul3A_131 : i32
      %add3A_133 = arith.constant 48 : i32
      %add3A_134 = arith.addi %mul3A_132, %add3A_133 : i32
      %get3A_135 = arith.index_cast %add3A_134 : i32 to index
      %get3A_136 = tpu.vector_load %arg7[%get3A_135] {strides = array<i32>} : memref<2560xi32, #tpu.memory_space<vmem>>, vector<16xi32>,
      %get3A_137 = arith.index_cast %add3A_134 : i32 to index
      %get3A_138 = tpu.vector_load %arg8[%get3A_137] {strides = array<i32>} : memref<2560xf32, #tpu.memory_space<vmem>>, vector<16xf32>,
      %ne3A_139 = arith.constant 0.000000e+00 : f32
      %ne3A_140 = vector.broadcast %ne3A_139 : f32 to vector<16xf32>
      %ne3A_141 = arith.cmpf one, %get3A_138, %ne3A_140 : vector<16xf32>
      %get3A_142 = arith.index_cast %add3A_134 : i32 to index
      %get3A_143 = tpu.vector_load %arg10[%get3A_142] {strides = array<i32>} : memref<2560xi32, #tpu.memory_space<vmem>>, vector<16xi32>,
      %mul3A_144 = arith.constant 1024 : i32
      %mul3A_145 = vector.broadcast %mul3A_144 : i32 to vector<16xi32>
      %mul3A_146 = arith.muli %iota3A, %mul3A_145 : vector<16xi32>
      %add3A_147 = arith.addi %mul3A_146, %get3A_136 : vector<16xi32>
      %gather3A_148 = tpu.vector_load_idx %arg14[%add3A_147] masked %ne3A_141 : memref<16384xi32, #tpu.memory_space<vmem>>[vector<16xi32>], vector<16xi32>, vector<16xi1>
      tpu.vector_store_idx %arg15[%gather3A_148], %get3A_143 masked %ne3A_141 : memref<2560xi32, #tpu.memory_space<vmem>>[vector<16xi32>], vector<16xi32>, vector<16xi1>
      tpu.vector_store_idx %arg16[%gather3A_148], %get3A_136 masked %ne3A_141 : memref<2560xi32, #tpu.memory_space<vmem>>[vector<16xi32>], vector<16xi32>, vector<16xi1>
      %add3A_149 = arith.constant 1 : i32
      %add3A_150 = vector.broadcast %add3A_149 : i32 to vector<16xi32>
      %add3A_151 = arith.addi %gather3A_148, %add3A_150 : vector<16xi32>
      tpu.vector_store_idx %arg14[%add3A_147], %add3A_151 masked %ne3A_141 : memref<16384xi32, #tpu.memory_space<vmem>>[vector<16xi32>], vector<16xi32>, vector<16xi1>
      %scan3A_152 = arith.constant 0 : i32
      scf.yield %scan3A_152 : i32
    }
    %scan3A_39 = arith.constant 40 : i32
    %scan3A_40 = arith.constant 0 : i32
    %scan3A_41 = arith.constant 0 : i32
    %scan3A_42 = arith.constant 8 : i32
    %scan3A_43 = arith.addi %scan3A_41, %scan3A_42 : i32
    %scan3A_44 = arith.constant 1 : i32
    %scan3A_45 = scf.for %scan3A_61 = %scan3A_41 to %scan3A_43 step %scan3A_44 iter_args(%scan3A_62 = %scan3A_40) -> (i32)  : i32 {
      %mul3A_63 = arith.constant 16 : i32
      %mul3A_64 = arith.muli %scan3A_61, %mul3A_63 : i32
      %get3A = arith.index_cast %mul3A_64 : i32 to index
      %get3A_65 = tpu.vector_load %arg18[%get3A] {strides = array<i32>} : memref<128xf32, #tpu.memory_space<vmem>>, vector<16xf32>,
      %max3A = arith.constant 1.000000e+00 : f32
      %max3A_66 = vector.broadcast %max3A : f32 to vector<16xf32>
      %max3A_67 = arith.maximumf %get3A_65, %max3A_66 : vector<16xf32>
      %div3A = arith.constant 1.000000e+00 : f32
      %div3A_68 = vector.broadcast %div3A : f32 to vector<16xf32>
      %div3A_69 = arith.divf %div3A_68, %max3A_67 : vector<16xf32>
      %swap3A = arith.index_cast %mul3A_64 : i32 to index
      %swap3A_70 = tpu.vector_load %arg19[%swap3A] {strides = array<i32>} : memref<128xf32, #tpu.memory_space<vmem>>, vector<16xf32>,
      tpu.vector_store %arg19[%swap3A], %div3A_69 {strides = array<i32>} : memref<128xf32, #tpu.memory_space<vmem>>, vector<16xf32>,
      %scan3A_71 = arith.constant 0 : i32
      scf.yield %scan3A_71 : i32
    }
    %scan3A_46 = arith.constant 8 : i32
    %scan3A_47 = arith.constant 0 : i32
    %scan3A_48 = arith.constant 0 : i32
    %scan3A_49 = arith.constant 160 : i32
    %scan3A_50 = arith.addi %scan3A_48, %scan3A_49 : i32
    %scan3A_51 = arith.constant 1 : i32
    %scan3A_52 = scf.for %scan3A_61 = %scan3A_48 to %scan3A_50 step %scan3A_51 iter_args(%scan3A_62 = %scan3A_47) -> (i32)  : i32 {
      %mul3A_63 = arith.constant 16 : i32
      %mul3A_64 = arith.muli %scan3A_61, %mul3A_63 : i32
      %add3A_65 = vector.broadcast %mul3A_64 : i32 to vector<16xi32>
      %add3A_66 = arith.addi %add3A_65, %iota3A : vector<16xi32>
      %lt3A = vector.broadcast %scan3A_31 : i32 to vector<16xi32>
      %lt3A_67 = arith.cmpi slt, %add3A_66, %lt3A : vector<16xi32>
      %get3A = arith.index_cast %mul3A_64 : i32 to index
      %get3A_68 = tpu.vector_load %arg15[%get3A] {strides = array<i32>} : memref<2560xi32, #tpu.memory_space<vmem>>, vector<16xi32>,
      %get3A_69 = arith.index_cast %mul3A_64 : i32 to index
      %get3A_70 = tpu.vector_load %arg16[%get3A_69] {strides = array<i32>} : memref<2560xi32, #tpu.memory_space<vmem>>, vector<16xi32>,
      %gather3A = tpu.vector_load_idx %arg13[%get3A_70] masked %lt3A_67 : memref<1024xi32, #tpu.memory_space<vmem>>[vector<16xi32>], vector<16xi32>, vector<16xi1>
      %gather3A_71 = tpu.vector_load_idx %arg12[%get3A_70] masked %lt3A_67 : memref<1024xi32, #tpu.memory_space<vmem>>[vector<16xi32>], vector<16xi32>, vector<16xi1>
      %jit3A = arith.constant 0 : i32
      %broadcast_in_dim3A_72 = vector.broadcast %jit3A : i32 to vector<16xi32>
      %select_n3A = arith.select %lt3A_67, %gather3A_71, %broadcast_in_dim3A_72 : vector<16xi1>, vector<16xi32>
      %ge3A = arith.constant 2 : i32
      %ge3A_73 = vector.broadcast %ge3A : i32 to vector<16xi32>
      %ge3A_74 = arith.cmpi sge, %select_n3A, %ge3A_73 : vector<16xi32>
      %and3A = arith.andi %lt3A_67, %ge3A_74 : vector<16xi1>
      %reduce_max3A = arith.constant true
      %reduce_max3A_75 = vector.broadcast %reduce_max3A : i1 to vector<16xi1>
      %reduce_max3A_76 = arith.constant -2147483648 : i32
      %reduce_max3A_77 = vector.broadcast %reduce_max3A_76 : i32 to vector<16xi32>
      %reduce_max3A_78 = arith.xori %select_n3A, %reduce_max3A_77 : vector<16xi32>
      %reduce_max3A_79 = tpu.scan <max>, %reduce_max3A_78 masked %reduce_max3A_75 : vector<16xi32>, vector<16xi1> -> vector<16xi32>
      %reduce_max3A_80 = arith.xori %reduce_max3A_79, %reduce_max3A_77 : vector<16xi32>
      %reduce_max3A_81 = vector.extract %reduce_max3A_80[15] : i32 from vector<16xi32>
      %shift_right_arithmetic3A = arith.constant 8 : i32
      %shift_right_arithmetic3A_82 = vector.broadcast %shift_right_arithmetic3A : i32 to vector<16xi32>
      %shift_right_arithmetic3A_83 = arith.shrsi %get3A_68, %shift_right_arithmetic3A_82 : vector<16xi32>
      %mul3A_84 = arith.constant 128 : i32
      %mul3A_85 = vector.broadcast %mul3A_84 : i32 to vector<16xi32>
      %mul3A_86 = arith.muli %shift_right_arithmetic3A_83, %mul3A_85 : vector<16xi32>
      %and3A_87 = arith.constant 255 : i32
      %and3A_88 = vector.broadcast %and3A_87 : i32 to vector<16xi32>
      %and3A_89 = arith.andi %get3A_68, %and3A_88 : vector<16xi32>
      %mul3A_90 = arith.constant 20 : i32
      %mul3A_91 = vector.broadcast %mul3A_90 : i32 to vector<16xi32>
      %mul3A_92 = arith.muli %and3A_89, %mul3A_91 : vector<16xi32>
      %while3A = arith.constant 0 : i32
      %while3A_93 = scf.while (%while3A_95 = %while3A) : (i32) -> i32 {
        %lt3A_96 = arith.cmpi slt, %while3A_95, %reduce_max3A_81 : i32
        scf.condition(%lt3A_96) %while3A_95 : i32
      } do {
      ^bb0(%while3A_95: i32):
        %add3A_96 = arith.constant 0 : i32
        %add3A_97 = arith.addi %while3A_95, %add3A_96 : i32
        %lt3A_98 = vector.broadcast %add3A_97 : i32 to vector<16xi32>
        %lt3A_99 = arith.cmpi slt, %lt3A_98, %select_n3A : vector<16xi32>
        %and3A_100 = arith.andi %and3A, %lt3A_99 : vector<16xi1>
        %add3A_101 = vector.broadcast %add3A_97 : i32 to vector<16xi32>
        %add3A_102 = arith.addi %gather3A, %add3A_101 : vector<16xi32>
        %gather3A_103 = tpu.vector_load_idx %arg15[%add3A_102] masked %and3A_100 : memref<2560xi32, #tpu.memory_space<vmem>>[vector<16xi32>], vector<16xi32>, vector<16xi1>
        %and3A_104 = arith.constant 255 : i32
        %and3A_105 = vector.broadcast %and3A_104 : i32 to vector<16xi32>
        %and3A_106 = arith.andi %gather3A_103, %and3A_105 : vector<16xi32>
        %add3A_107 = arith.addi %mul3A_92, %and3A_106 : vector<16xi32>
        %gather3A_108 = tpu.vector_load_idx %arg9[%add3A_107] masked %and3A_100 : memref<400xf32, #tpu.memory_space<vmem>>[vector<16xi32>], vector<16xf32>, vector<16xi1>
        %shift_right_arithmetic3A_109 = arith.constant 8 : i32
        %shift_right_arithmetic3A_110 = vector.broadcast %shift_right_arithmetic3A_109 : i32 to vector<16xi32>
        %shift_right_arithmetic3A_111 = arith.shrsi %gather3A_103, %shift_right_arithmetic3A_110 : vector<16xi32>
        %add3A_112 = arith.addi %mul3A_86, %shift_right_arithmetic3A_111 : vector<16xi32>
        tpu.vector_store_idx %arg17[%add3A_112], %gather3A_108 masked %and3A_100 {add = true} : memref<16384xf32, #tpu.memory_space<vmem>>[vector<16xi32>], vector<16xf32>, vector<16xi1>
        %add3A_113 = arith.constant 1 : i32
        %add3A_114 = arith.addi %while3A_95, %add3A_113 : i32
        %lt3A_115 = vector.broadcast %add3A_114 : i32 to vector<16xi32>
        %lt3A_116 = arith.cmpi slt, %lt3A_115, %select_n3A : vector<16xi32>
        %and3A_117 = arith.andi %and3A, %lt3A_116 : vector<16xi1>
        %add3A_118 = vector.broadcast %add3A_114 : i32 to vector<16xi32>
        %add3A_119 = arith.addi %gather3A, %add3A_118 : vector<16xi32>
        %gather3A_120 = tpu.vector_load_idx %arg15[%add3A_119] masked %and3A_117 : memref<2560xi32, #tpu.memory_space<vmem>>[vector<16xi32>], vector<16xi32>, vector<16xi1>
        %and3A_121 = arith.constant 255 : i32
        %and3A_122 = vector.broadcast %and3A_121 : i32 to vector<16xi32>
        %and3A_123 = arith.andi %gather3A_120, %and3A_122 : vector<16xi32>
        %add3A_124 = arith.addi %mul3A_92, %and3A_123 : vector<16xi32>
        %gather3A_125 = tpu.vector_load_idx %arg9[%add3A_124] masked %and3A_117 : memref<400xf32, #tpu.memory_space<vmem>>[vector<16xi32>], vector<16xf32>, vector<16xi1>
        %shift_right_arithmetic3A_126 = arith.constant 8 : i32
        %shift_right_arithmetic3A_127 = vector.broadcast %shift_right_arithmetic3A_126 : i32 to vector<16xi32>
        %shift_right_arithmetic3A_128 = arith.shrsi %gather3A_120, %shift_right_arithmetic3A_127 : vector<16xi32>
        %add3A_129 = arith.addi %mul3A_86, %shift_right_arithmetic3A_128 : vector<16xi32>
        tpu.vector_store_idx %arg17[%add3A_129], %gather3A_125 masked %and3A_117 {add = true} : memref<16384xf32, #tpu.memory_space<vmem>>[vector<16xi32>], vector<16xf32>, vector<16xi1>
        %add3A_130 = arith.constant 2 : i32
        %add3A_131 = arith.addi %while3A_95, %add3A_130 : i32
        scf.yield %add3A_131 : i32
      }
      %scan3A_94 = arith.constant 0 : i32
      scf.yield %scan3A_94 : i32
    }
    %scan3A_53 = arith.constant 160 : i32
    %scan3A_54 = arith.constant 0 : i32
    %scan3A_55 = arith.constant 0 : i32
    %scan3A_56 = arith.constant 128 : i32
    %scan3A_57 = arith.addi %scan3A_55, %scan3A_56 : i32
    %scan3A_58 = arith.constant 1 : i32
    %scan3A_59 = scf.for %scan3A_61 = %scan3A_55 to %scan3A_57 step %scan3A_58 iter_args(%scan3A_62 = %scan3A_54) -> (i32)  : i32 {
      %broadcast_in_dim3A_63 = vector.broadcast %scan3A_61 : i32 to vector<16xi32>
      %gather3A = tpu.vector_load_idx %arg19[%broadcast_in_dim3A_63] : memref<128xf32, #tpu.memory_space<vmem>>[vector<16xi32>], vector<16xf32>,
      %mul3A_64 = arith.constant 128 : i32
      %mul3A_65 = arith.muli %scan3A_61, %mul3A_64 : i32
      %add3A_66 = arith.constant 0 : i32
      %add3A_67 = arith.addi %mul3A_65, %add3A_66 : i32
      %get3A = arith.index_cast %add3A_67 : i32 to index
      %get3A_68 = tpu.vector_load %arg17[%get3A] {strides = array<i32>} : memref<16384xf32, #tpu.memory_space<vmem>>, vector<16xf32>,
      %get3A_69 = arith.constant 0 : index
      %get3A_70 = tpu.vector_load %arg19[%get3A_69] {strides = array<i32>} : memref<128xf32, #tpu.memory_space<vmem>>, vector<16xf32>,
      %mul3A_71 = arith.mulf %get3A_68, %gather3A : vector<16xf32>
      %mul3A_72 = arith.mulf %mul3A_71, %get3A_70 : vector<16xf32>
      %jit3A = arith.constant -1.000000e+01 : f32
      %jit3A_73 = arith.constant 1.000000e+01 : f32
      %max3A = vector.broadcast %jit3A : f32 to vector<16xf32>
      %max3A_74 = arith.maximumf %max3A, %mul3A_72 : vector<16xf32>
      %min3A = vector.broadcast %jit3A_73 : f32 to vector<16xf32>
      %min3A_75 = arith.minimumf %min3A, %max3A_74 : vector<16xf32>
      %mul3A_76 = arith.constant 2.000000e+00 : f32
      %mul3A_77 = vector.broadcast %mul3A_76 : f32 to vector<16xf32>
      %mul3A_78 = arith.mulf %mul3A_77, %min3A_75 : vector<16xf32>
      %exp3A = math.exp %mul3A_78 : vector<16xf32>
      %add3A_79 = arith.constant 1.000000e+00 : f32
      %add3A_80 = vector.broadcast %add3A_79 : f32 to vector<16xf32>
      %add3A_81 = arith.addf %exp3A, %add3A_80 : vector<16xf32>
      %div3A = arith.constant 2.000000e+00 : f32
      %div3A_82 = vector.broadcast %div3A : f32 to vector<16xf32>
      %div3A_83 = arith.divf %div3A_82, %add3A_81 : vector<16xf32>
      %sub3A = arith.constant 1.000000e+00 : f32
      %sub3A_84 = vector.broadcast %sub3A : f32 to vector<16xf32>
      %sub3A_85 = arith.subf %sub3A_84, %div3A_83 : vector<16xf32>
      %swap3A = arith.index_cast %add3A_67 : i32 to index
      %swap3A_86 = tpu.vector_load %arg17[%swap3A] {strides = array<i32>} : memref<16384xf32, #tpu.memory_space<vmem>>, vector<16xf32>,
      tpu.vector_store %arg17[%swap3A], %sub3A_85 {strides = array<i32>} : memref<16384xf32, #tpu.memory_space<vmem>>, vector<16xf32>,
      %mul3A_87 = arith.constant 128 : i32
      %mul3A_88 = arith.muli %scan3A_61, %mul3A_87 : i32
      %add3A_89 = arith.constant 16 : i32
      %add3A_90 = arith.addi %mul3A_88, %add3A_89 : i32
      %get3A_91 = arith.index_cast %add3A_90 : i32 to index
      %get3A_92 = tpu.vector_load %arg17[%get3A_91] {strides = array<i32>} : memref<16384xf32, #tpu.memory_space<vmem>>, vector<16xf32>,
      %get3A_93 = arith.constant 16 : index
      %get3A_94 = tpu.vector_load %arg19[%get3A_93] {strides = array<i32>} : memref<128xf32, #tpu.memory_space<vmem>>, vector<16xf32>,
      %mul3A_95 = arith.mulf %get3A_92, %gather3A : vector<16xf32>
      %mul3A_96 = arith.mulf %mul3A_95, %get3A_94 : vector<16xf32>
      %jit3A_97 = arith.constant -1.000000e+01 : f32
      %jit3A_98 = arith.constant 1.000000e+01 : f32
      %max3A_99 = vector.broadcast %jit3A_97 : f32 to vector<16xf32>
      %max3A_100 = arith.maximumf %max3A_99, %mul3A_96 : vector<16xf32>
      %min3A_101 = vector.broadcast %jit3A_98 : f32 to vector<16xf32>
      %min3A_102 = arith.minimumf %min3A_101, %max3A_100 : vector<16xf32>
      %mul3A_103 = arith.constant 2.000000e+00 : f32
      %mul3A_104 = vector.broadcast %mul3A_103 : f32 to vector<16xf32>
      %mul3A_105 = arith.mulf %mul3A_104, %min3A_102 : vector<16xf32>
      %exp3A_106 = math.exp %mul3A_105 : vector<16xf32>
      %add3A_107 = arith.constant 1.000000e+00 : f32
      %add3A_108 = vector.broadcast %add3A_107 : f32 to vector<16xf32>
      %add3A_109 = arith.addf %exp3A_106, %add3A_108 : vector<16xf32>
      %div3A_110 = arith.constant 2.000000e+00 : f32
      %div3A_111 = vector.broadcast %div3A_110 : f32 to vector<16xf32>
      %div3A_112 = arith.divf %div3A_111, %add3A_109 : vector<16xf32>
      %sub3A_113 = arith.constant 1.000000e+00 : f32
      %sub3A_114 = vector.broadcast %sub3A_113 : f32 to vector<16xf32>
      %sub3A_115 = arith.subf %sub3A_114, %div3A_112 : vector<16xf32>
      %swap3A_116 = arith.index_cast %add3A_90 : i32 to index
      %swap3A_117 = tpu.vector_load %arg17[%swap3A_116] {strides = array<i32>} : memref<16384xf32, #tpu.memory_space<vmem>>, vector<16xf32>,
      tpu.vector_store %arg17[%swap3A_116], %sub3A_115 {strides = array<i32>} : memref<16384xf32, #tpu.memory_space<vmem>>, vector<16xf32>,
      %mul3A_118 = arith.constant 128 : i32
      %mul3A_119 = arith.muli %scan3A_61, %mul3A_118 : i32
      %add3A_120 = arith.constant 32 : i32
      %add3A_121 = arith.addi %mul3A_119, %add3A_120 : i32
      %get3A_122 = arith.index_cast %add3A_121 : i32 to index
      %get3A_123 = tpu.vector_load %arg17[%get3A_122] {strides = array<i32>} : memref<16384xf32, #tpu.memory_space<vmem>>, vector<16xf32>,
      %get3A_124 = arith.constant 32 : index
      %get3A_125 = tpu.vector_load %arg19[%get3A_124] {strides = array<i32>} : memref<128xf32, #tpu.memory_space<vmem>>, vector<16xf32>,
      %mul3A_126 = arith.mulf %get3A_123, %gather3A : vector<16xf32>
      %mul3A_127 = arith.mulf %mul3A_126, %get3A_125 : vector<16xf32>
      %jit3A_128 = arith.constant -1.000000e+01 : f32
      %jit3A_129 = arith.constant 1.000000e+01 : f32
      %max3A_130 = vector.broadcast %jit3A_128 : f32 to vector<16xf32>
      %max3A_131 = arith.maximumf %max3A_130, %mul3A_127 : vector<16xf32>
      %min3A_132 = vector.broadcast %jit3A_129 : f32 to vector<16xf32>
      %min3A_133 = arith.minimumf %min3A_132, %max3A_131 : vector<16xf32>
      %mul3A_134 = arith.constant 2.000000e+00 : f32
      %mul3A_135 = vector.broadcast %mul3A_134 : f32 to vector<16xf32>
      %mul3A_136 = arith.mulf %mul3A_135, %min3A_133 : vector<16xf32>
      %exp3A_137 = math.exp %mul3A_136 : vector<16xf32>
      %add3A_138 = arith.constant 1.000000e+00 : f32
      %add3A_139 = vector.broadcast %add3A_138 : f32 to vector<16xf32>
      %add3A_140 = arith.addf %exp3A_137, %add3A_139 : vector<16xf32>
      %div3A_141 = arith.constant 2.000000e+00 : f32
      %div3A_142 = vector.broadcast %div3A_141 : f32 to vector<16xf32>
      %div3A_143 = arith.divf %div3A_142, %add3A_140 : vector<16xf32>
      %sub3A_144 = arith.constant 1.000000e+00 : f32
      %sub3A_145 = vector.broadcast %sub3A_144 : f32 to vector<16xf32>
      %sub3A_146 = arith.subf %sub3A_145, %div3A_143 : vector<16xf32>
      %swap3A_147 = arith.index_cast %add3A_121 : i32 to index
      %swap3A_148 = tpu.vector_load %arg17[%swap3A_147] {strides = array<i32>} : memref<16384xf32, #tpu.memory_space<vmem>>, vector<16xf32>,
      tpu.vector_store %arg17[%swap3A_147], %sub3A_146 {strides = array<i32>} : memref<16384xf32, #tpu.memory_space<vmem>>, vector<16xf32>,
      %mul3A_149 = arith.constant 128 : i32
      %mul3A_150 = arith.muli %scan3A_61, %mul3A_149 : i32
      %add3A_151 = arith.constant 48 : i32
      %add3A_152 = arith.addi %mul3A_150, %add3A_151 : i32
      %get3A_153 = arith.index_cast %add3A_152 : i32 to index
      %get3A_154 = tpu.vector_load %arg17[%get3A_153] {strides = array<i32>} : memref<16384xf32, #tpu.memory_space<vmem>>, vector<16xf32>,
      %get3A_155 = arith.constant 48 : index
      %get3A_156 = tpu.vector_load %arg19[%get3A_155] {strides = array<i32>} : memref<128xf32, #tpu.memory_space<vmem>>, vector<16xf32>,
      %mul3A_157 = arith.mulf %get3A_154, %gather3A : vector<16xf32>
      %mul3A_158 = arith.mulf %mul3A_157, %get3A_156 : vector<16xf32>
      %jit3A_159 = arith.constant -1.000000e+01 : f32
      %jit3A_160 = arith.constant 1.000000e+01 : f32
      %max3A_161 = vector.broadcast %jit3A_159 : f32 to vector<16xf32>
      %max3A_162 = arith.maximumf %max3A_161, %mul3A_158 : vector<16xf32>
      %min3A_163 = vector.broadcast %jit3A_160 : f32 to vector<16xf32>
      %min3A_164 = arith.minimumf %min3A_163, %max3A_162 : vector<16xf32>
      %mul3A_165 = arith.constant 2.000000e+00 : f32
      %mul3A_166 = vector.broadcast %mul3A_165 : f32 to vector<16xf32>
      %mul3A_167 = arith.mulf %mul3A_166, %min3A_164 : vector<16xf32>
      %exp3A_168 = math.exp %mul3A_167 : vector<16xf32>
      %add3A_169 = arith.constant 1.000000e+00 : f32
      %add3A_170 = vector.broadcast %add3A_169 : f32 to vector<16xf32>
      %add3A_171 = arith.addf %exp3A_168, %add3A_170 : vector<16xf32>
      %div3A_172 = arith.constant 2.000000e+00 : f32
      %div3A_173 = vector.broadcast %div3A_172 : f32 to vector<16xf32>
      %div3A_174 = arith.divf %div3A_173, %add3A_171 : vector<16xf32>
      %sub3A_175 = arith.constant 1.000000e+00 : f32
      %sub3A_176 = vector.broadcast %sub3A_175 : f32 to vector<16xf32>
      %sub3A_177 = arith.subf %sub3A_176, %div3A_174 : vector<16xf32>
      %swap3A_178 = arith.index_cast %add3A_152 : i32 to index
      %swap3A_179 = tpu.vector_load %arg17[%swap3A_178] {strides = array<i32>} : memref<16384xf32, #tpu.memory_space<vmem>>, vector<16xf32>,
      tpu.vector_store %arg17[%swap3A_178], %sub3A_177 {strides = array<i32>} : memref<16384xf32, #tpu.memory_space<vmem>>, vector<16xf32>,
      %mul3A_180 = arith.constant 128 : i32
      %mul3A_181 = arith.muli %scan3A_61, %mul3A_180 : i32
      %add3A_182 = arith.constant 64 : i32
      %add3A_183 = arith.addi %mul3A_181, %add3A_182 : i32
      %get3A_184 = arith.index_cast %add3A_183 : i32 to index
      %get3A_185 = tpu.vector_load %arg17[%get3A_184] {strides = array<i32>} : memref<16384xf32, #tpu.memory_space<vmem>>, vector<16xf32>,
      %get3A_186 = arith.constant 64 : index
      %get3A_187 = tpu.vector_load %arg19[%get3A_186] {strides = array<i32>} : memref<128xf32, #tpu.memory_space<vmem>>, vector<16xf32>,
      %mul3A_188 = arith.mulf %get3A_185, %gather3A : vector<16xf32>
      %mul3A_189 = arith.mulf %mul3A_188, %get3A_187 : vector<16xf32>
      %jit3A_190 = arith.constant -1.000000e+01 : f32
      %jit3A_191 = arith.constant 1.000000e+01 : f32
      %max3A_192 = vector.broadcast %jit3A_190 : f32 to vector<16xf32>
      %max3A_193 = arith.maximumf %max3A_192, %mul3A_189 : vector<16xf32>
      %min3A_194 = vector.broadcast %jit3A_191 : f32 to vector<16xf32>
      %min3A_195 = arith.minimumf %min3A_194, %max3A_193 : vector<16xf32>
      %mul3A_196 = arith.constant 2.000000e+00 : f32
      %mul3A_197 = vector.broadcast %mul3A_196 : f32 to vector<16xf32>
      %mul3A_198 = arith.mulf %mul3A_197, %min3A_195 : vector<16xf32>
      %exp3A_199 = math.exp %mul3A_198 : vector<16xf32>
      %add3A_200 = arith.constant 1.000000e+00 : f32
      %add3A_201 = vector.broadcast %add3A_200 : f32 to vector<16xf32>
      %add3A_202 = arith.addf %exp3A_199, %add3A_201 : vector<16xf32>
      %div3A_203 = arith.constant 2.000000e+00 : f32
      %div3A_204 = vector.broadcast %div3A_203 : f32 to vector<16xf32>
      %div3A_205 = arith.divf %div3A_204, %add3A_202 : vector<16xf32>
      %sub3A_206 = arith.constant 1.000000e+00 : f32
      %sub3A_207 = vector.broadcast %sub3A_206 : f32 to vector<16xf32>
      %sub3A_208 = arith.subf %sub3A_207, %div3A_205 : vector<16xf32>
      %swap3A_209 = arith.index_cast %add3A_183 : i32 to index
      %swap3A_210 = tpu.vector_load %arg17[%swap3A_209] {strides = array<i32>} : memref<16384xf32, #tpu.memory_space<vmem>>, vector<16xf32>,
      tpu.vector_store %arg17[%swap3A_209], %sub3A_208 {strides = array<i32>} : memref<16384xf32, #tpu.memory_space<vmem>>, vector<16xf32>,
      %mul3A_211 = arith.constant 128 : i32
      %mul3A_212 = arith.muli %scan3A_61, %mul3A_211 : i32
      %add3A_213 = arith.constant 80 : i32
      %add3A_214 = arith.addi %mul3A_212, %add3A_213 : i32
      %get3A_215 = arith.index_cast %add3A_214 : i32 to index
      %get3A_216 = tpu.vector_load %arg17[%get3A_215] {strides = array<i32>} : memref<16384xf32, #tpu.memory_space<vmem>>, vector<16xf32>,
      %get3A_217 = arith.constant 80 : index
      %get3A_218 = tpu.vector_load %arg19[%get3A_217] {strides = array<i32>} : memref<128xf32, #tpu.memory_space<vmem>>, vector<16xf32>,
      %mul3A_219 = arith.mulf %get3A_216, %gather3A : vector<16xf32>
      %mul3A_220 = arith.mulf %mul3A_219, %get3A_218 : vector<16xf32>
      %jit3A_221 = arith.constant -1.000000e+01 : f32
      %jit3A_222 = arith.constant 1.000000e+01 : f32
      %max3A_223 = vector.broadcast %jit3A_221 : f32 to vector<16xf32>
      %max3A_224 = arith.maximumf %max3A_223, %mul3A_220 : vector<16xf32>
      %min3A_225 = vector.broadcast %jit3A_222 : f32 to vector<16xf32>
      %min3A_226 = arith.minimumf %min3A_225, %max3A_224 : vector<16xf32>
      %mul3A_227 = arith.constant 2.000000e+00 : f32
      %mul3A_228 = vector.broadcast %mul3A_227 : f32 to vector<16xf32>
      %mul3A_229 = arith.mulf %mul3A_228, %min3A_226 : vector<16xf32>
      %exp3A_230 = math.exp %mul3A_229 : vector<16xf32>
      %add3A_231 = arith.constant 1.000000e+00 : f32
      %add3A_232 = vector.broadcast %add3A_231 : f32 to vector<16xf32>
      %add3A_233 = arith.addf %exp3A_230, %add3A_232 : vector<16xf32>
      %div3A_234 = arith.constant 2.000000e+00 : f32
      %div3A_235 = vector.broadcast %div3A_234 : f32 to vector<16xf32>
      %div3A_236 = arith.divf %div3A_235, %add3A_233 : vector<16xf32>
      %sub3A_237 = arith.constant 1.000000e+00 : f32
      %sub3A_238 = vector.broadcast %sub3A_237 : f32 to vector<16xf32>
      %sub3A_239 = arith.subf %sub3A_238, %div3A_236 : vector<16xf32>
      %swap3A_240 = arith.index_cast %add3A_214 : i32 to index
      %swap3A_241 = tpu.vector_load %arg17[%swap3A_240] {strides = array<i32>} : memref<16384xf32, #tpu.memory_space<vmem>>, vector<16xf32>,
      tpu.vector_store %arg17[%swap3A_240], %sub3A_239 {strides = array<i32>} : memref<16384xf32, #tpu.memory_space<vmem>>, vector<16xf32>,
      %mul3A_242 = arith.constant 128 : i32
      %mul3A_243 = arith.muli %scan3A_61, %mul3A_242 : i32
      %add3A_244 = arith.constant 96 : i32
      %add3A_245 = arith.addi %mul3A_243, %add3A_244 : i32
      %get3A_246 = arith.index_cast %add3A_245 : i32 to index
      %get3A_247 = tpu.vector_load %arg17[%get3A_246] {strides = array<i32>} : memref<16384xf32, #tpu.memory_space<vmem>>, vector<16xf32>,
      %get3A_248 = arith.constant 96 : index
      %get3A_249 = tpu.vector_load %arg19[%get3A_248] {strides = array<i32>} : memref<128xf32, #tpu.memory_space<vmem>>, vector<16xf32>,
      %mul3A_250 = arith.mulf %get3A_247, %gather3A : vector<16xf32>
      %mul3A_251 = arith.mulf %mul3A_250, %get3A_249 : vector<16xf32>
      %jit3A_252 = arith.constant -1.000000e+01 : f32
      %jit3A_253 = arith.constant 1.000000e+01 : f32
      %max3A_254 = vector.broadcast %jit3A_252 : f32 to vector<16xf32>
      %max3A_255 = arith.maximumf %max3A_254, %mul3A_251 : vector<16xf32>
      %min3A_256 = vector.broadcast %jit3A_253 : f32 to vector<16xf32>
      %min3A_257 = arith.minimumf %min3A_256, %max3A_255 : vector<16xf32>
      %mul3A_258 = arith.constant 2.000000e+00 : f32
      %mul3A_259 = vector.broadcast %mul3A_258 : f32 to vector<16xf32>
      %mul3A_260 = arith.mulf %mul3A_259, %min3A_257 : vector<16xf32>
      %exp3A_261 = math.exp %mul3A_260 : vector<16xf32>
      %add3A_262 = arith.constant 1.000000e+00 : f32
      %add3A_263 = vector.broadcast %add3A_262 : f32 to vector<16xf32>
      %add3A_264 = arith.addf %exp3A_261, %add3A_263 : vector<16xf32>
      %div3A_265 = arith.constant 2.000000e+00 : f32
      %div3A_266 = vector.broadcast %div3A_265 : f32 to vector<16xf32>
      %div3A_267 = arith.divf %div3A_266, %add3A_264 : vector<16xf32>
      %sub3A_268 = arith.constant 1.000000e+00 : f32
      %sub3A_269 = vector.broadcast %sub3A_268 : f32 to vector<16xf32>
      %sub3A_270 = arith.subf %sub3A_269, %div3A_267 : vector<16xf32>
      %swap3A_271 = arith.index_cast %add3A_245 : i32 to index
      %swap3A_272 = tpu.vector_load %arg17[%swap3A_271] {strides = array<i32>} : memref<16384xf32, #tpu.memory_space<vmem>>, vector<16xf32>,
      tpu.vector_store %arg17[%swap3A_271], %sub3A_270 {strides = array<i32>} : memref<16384xf32, #tpu.memory_space<vmem>>, vector<16xf32>,
      %mul3A_273 = arith.constant 128 : i32
      %mul3A_274 = arith.muli %scan3A_61, %mul3A_273 : i32
      %add3A_275 = arith.constant 112 : i32
      %add3A_276 = arith.addi %mul3A_274, %add3A_275 : i32
      %get3A_277 = arith.index_cast %add3A_276 : i32 to index
      %get3A_278 = tpu.vector_load %arg17[%get3A_277] {strides = array<i32>} : memref<16384xf32, #tpu.memory_space<vmem>>, vector<16xf32>,
      %get3A_279 = arith.constant 112 : index
      %get3A_280 = tpu.vector_load %arg19[%get3A_279] {strides = array<i32>} : memref<128xf32, #tpu.memory_space<vmem>>, vector<16xf32>,
      %mul3A_281 = arith.mulf %get3A_278, %gather3A : vector<16xf32>
      %mul3A_282 = arith.mulf %mul3A_281, %get3A_280 : vector<16xf32>
      %jit3A_283 = arith.constant -1.000000e+01 : f32
      %jit3A_284 = arith.constant 1.000000e+01 : f32
      %max3A_285 = vector.broadcast %jit3A_283 : f32 to vector<16xf32>
      %max3A_286 = arith.maximumf %max3A_285, %mul3A_282 : vector<16xf32>
      %min3A_287 = vector.broadcast %jit3A_284 : f32 to vector<16xf32>
      %min3A_288 = arith.minimumf %min3A_287, %max3A_286 : vector<16xf32>
      %mul3A_289 = arith.constant 2.000000e+00 : f32
      %mul3A_290 = vector.broadcast %mul3A_289 : f32 to vector<16xf32>
      %mul3A_291 = arith.mulf %mul3A_290, %min3A_288 : vector<16xf32>
      %exp3A_292 = math.exp %mul3A_291 : vector<16xf32>
      %add3A_293 = arith.constant 1.000000e+00 : f32
      %add3A_294 = vector.broadcast %add3A_293 : f32 to vector<16xf32>
      %add3A_295 = arith.addf %exp3A_292, %add3A_294 : vector<16xf32>
      %div3A_296 = arith.constant 2.000000e+00 : f32
      %div3A_297 = vector.broadcast %div3A_296 : f32 to vector<16xf32>
      %div3A_298 = arith.divf %div3A_297, %add3A_295 : vector<16xf32>
      %sub3A_299 = arith.constant 1.000000e+00 : f32
      %sub3A_300 = vector.broadcast %sub3A_299 : f32 to vector<16xf32>
      %sub3A_301 = arith.subf %sub3A_300, %div3A_298 : vector<16xf32>
      %swap3A_302 = arith.index_cast %add3A_276 : i32 to index
      %swap3A_303 = tpu.vector_load %arg17[%swap3A_302] {strides = array<i32>} : memref<16384xf32, #tpu.memory_space<vmem>>, vector<16xf32>,
      tpu.vector_store %arg17[%swap3A_302], %sub3A_301 {strides = array<i32>} : memref<16384xf32, #tpu.memory_space<vmem>>, vector<16xf32>,
      %scan3A_304 = arith.constant 0 : i32
      scf.yield %scan3A_304 : i32
    }
    %scan3A_60 = arith.constant 128 : i32
    "tpu.region"() ({
      %run_scoped3A = tpu.sem_alloc : memref<!tpu.dma_semaphore, #tpu.memory_space<semaphore_mem>>
      %dma_start3A = arith.constant 0 : i32
      %dma_start3A_61 = tpu.memref_slice %arg6[%add3A, %dma_start3A] : memref<32x16384xf32, #tpu.memory_space<hbm>> -> memref<1x16384xf32, #tpu.memory_space<hbm>>
      %dma_start3A_62 = tpu.memref_squeeze %dma_start3A_61 : memref<1x16384xf32, #tpu.memory_space<hbm>> -> memref<16384xf32, #tpu.memory_space<hbm>>
      %dma_start3A_63 = arith.constant 0 : i32
      %dma_start3A_64 = tpu.memref_slice %arg6[%add3A, %dma_start3A_63] : memref<32x16384xf32, #tpu.memory_space<hbm>> -> memref<1x16384xf32, #tpu.memory_space<hbm>>
      %dma_start3A_65 = tpu.memref_squeeze %dma_start3A_64 : memref<1x16384xf32, #tpu.memory_space<hbm>> -> memref<16384xf32, #tpu.memory_space<hbm>>
      tpu.enqueue_dma source(%arg17 : memref<16384xf32, #tpu.memory_space<vmem>>) target(%dma_start3A_65 : memref<16384xf32, #tpu.memory_space<hbm>>) target_semaphore(%run_scoped3A : memref<!tpu.dma_semaphore, #tpu.memory_space<semaphore_mem>>)
      %dma_wait3A = arith.constant 0 : i32
      %dma_wait3A_66 = tpu.memref_slice %arg6[%add3A, %dma_wait3A] : memref<32x16384xf32, #tpu.memory_space<hbm>> -> memref<1x16384xf32, #tpu.memory_space<hbm>>
      %dma_wait3A_67 = tpu.memref_squeeze %dma_wait3A_66 : memref<1x16384xf32, #tpu.memory_space<hbm>> -> memref<16384xf32, #tpu.memory_space<hbm>>
      %dma_wait3A_68 = arith.constant 0 : i32
      %dma_wait3A_69 = tpu.memref_slice %arg6[%add3A, %dma_wait3A_68] : memref<32x16384xf32, #tpu.memory_space<hbm>> -> memref<1x16384xf32, #tpu.memory_space<hbm>>
      %dma_wait3A_70 = tpu.memref_squeeze %dma_wait3A_69 : memref<1x16384xf32, #tpu.memory_space<hbm>> -> memref<16384xf32, #tpu.memory_space<hbm>>
      tpu.wait_dma2 semaphore(%run_scoped3A : memref<!tpu.dma_semaphore, #tpu.memory_space<semaphore_mem>>) src(%arg17 : memref<16384xf32, #tpu.memory_space<vmem>>) dst(%dma_wait3A_70 : memref<16384xf32, #tpu.memory_space<hbm>>)
      tpu.yield
    }) : () -> ()
    return
  }
}

</mosaic_0001>

<sc_bundles>
// kernel: kernel.4.cloned.1.call-start
scs
__scs_entry_jumppad:
0x0: {  	(pc) =	sbr.rel $0x88, $3  }
0x1: {  	(tag) =	ssettag $0x0;
	lr =	simm.s32 $0x1  }
0x2: {  	[smem:$0x3F9E] =	sst lr;
	_ =	strace $0xD0000000  }
0x3: {  	_ = 	snop  }
0x4: {  	_ = 	snop  }
0x5: {  	_ = 	snop  }
0x6: {  	_ = 	snop  }
0x7: {  	_ = 	snop  }
__scs_overlays_trampoline_lowered:
0x8: {  	[smem:$0x3FAD] =	sst s0  }
0x9: {  	[smem:$0x3FAE] =	sst s1  }
0xa: {  	[smem:$0x3FAF] =	sst s2  }
0xb: {  	[smem:$0x3FB0] =	sst s3  }
0xc: {  	[smem:$0x3FB1] =	sst s4  }
0xd: {  	[smem:$0x3FB2] =	sst s5  }
0xe: {  	[smem:$0x3FB3] =	sst s6  }
0xf: {  	[smem:$0x3FB4] =	sst s7  }
0x10: {  	[smem:$0x3FB5] =	sst s8  }
0x11: {  	[smem:$0x3FB6] =	sst s9;
	s0 =	simm.s32 @!p0 $0x0  }
0x12: {  	s1 =	sld [smem:$0x3F9C];
	s0 =	simm.s32 @p0 $0x1  }
0x13: {  	[smem:$0x3FB7] =	sst s0;
	s0 =	simm.s32 @!p1 $0x0  }
0x14: {  	s2 =	sld [smem:$0x3F9B];
	s0 =	simm.s32 @p1 $0x1  }
0x15: {  	[smem:$0x3FB8] =	sst s0;
	s0 =	simm.s32 @!p2 $0x0  }
0x16: {  	s3 =	sld [smem:$0x3FDB];
	s0 =	simm.s32 @p2 $0x1  }
0x17: {  	s4 =	simm.s32 $0x1BF5;
	[smem:$0x3FBA] =	sst s0  }
0x18: {  	s0 =	sld [smem:$0x3F9D];
	_ =	swait.ge [sflag:s4], $0x0  }
0x19: {  	s7 =	sld [smem:$0x3F9E]  }
0x1a: {  	s8 =	sadd.s32 $0xFFFFE003, lr  }
0x1b: {  	s9 =	sadd.s32 $0xFFFFFEF7, lr;
	s5 =	simm.s32 $0xFFFFFFFF;
	p2 =	slt.u32 s8, $0xFFFFF086  }
0x1c: {  	p1 =	slt.u32 s9, $0xF7A;
	s5 =	simm.s32 @!p2 $0x0  }
0x1d: {  	s5 =	simm.s32 @p1 $0x1;
	p0 =	seq.s32 s7, s2  }
0x1e: {  	s7 =	smul.u32 @!p0 $0xF7A, s2;
	p2 =	seq.s32 @!p0 s5, $0x0  }
0x1f: {  	s9 =	smul.u32 $0xF7A, s1;
	s8 =	simm.s32 @!p0 $0x1BF5;
	p2 =	por !p2, p0  }
0x20: {  	[sflag:s8] =	ssyncset.s32 @!p0 $0xFFFFF086;
	s6 =	sadd.s32 @!p0 s3, s7;
	s7 =	simm.s32 @!p0 $0x108  }
0x21: {  	s3 =	sadd.s32 s3, s9;
	s6 =	sadd.s32 @!p0 $0x88, s6;
	s7 =	simm.s32 @p2 $0x1082  }
0x22: {  	[simem:s7], [sflag:s8] =	dma.local @!p0 [hbm:s6], $0xF7A  }
0x23: {  	s9 =	sor.u32 $0xD0000000, s2;
	s6 =	simm.s32 $0x108;
	_ =	swait.ge @!p0 [sflag:s8], $0x0  }
0x24: {  	s3 =	sadd.s32 $0x88, s3;
	s6 =	simm.s32 @!p1 $0x1082;
	[sflag:s4] =	ssyncset.s32 $0xFFFFF086  }
0x25: {  	[simem:s6], [sflag:s4] =	dma.local [hbm:s3], $0xF7A  }
0x26: {  	[smem:$0x3F9E] =	sst s1;
	(tag) =	ssettag s2;
	_ =	strace s9  }
0x27: {  	s1 =	sld [smem:$0x3FAE]  }
0x28: {  	s2 =	sld [smem:$0x3FAF]  }
0x29: {  	s4 =	sld [smem:$0x3FB1]  }
0x2a: {  	p0 =	seq.s32 s5, $0x0;
	s5 =	sld [smem:$0x3FB2]  }
0x2b: {  	s6 =	sld [smem:$0x3FB3]  }
0x2c: {  	s7 =	sld [smem:$0x3FB4]  }
0x2d: {  	s3 =	simm.s32 $0x108;
	s8 =	sld [smem:$0x3FB5]  }
0x2e: {  	s3 =	simm.s32 @!p0 $0x1082;
	s9 =	sld [smem:$0x3FB6]  }
0x2f: {  	lr =	sadd.s32 s0, s3;
	s0 =	sld [smem:$0x3FAD]  }
0x30: {  	s3 =	sld [smem:$0x3FB0]  }
0x31: {  	[smem:$0x3FB9] =	sst s10  }
0x32: {  	s10 =	sld [smem:$0x3FB7];
	_ =	sdelay $0x3  }
0x33: {  	p0 =	seq.s32 s10, $0x1;
	s10 =	sld [smem:$0x3FB9];
	_ =	sdelay $0x3  }
0x34: {  	[smem:$0x3FB9] =	sst s10  }
0x35: {  	s10 =	sld [smem:$0x3FB8];
	_ =	sdelay $0x3  }
0x36: {  	p1 =	seq.s32 s10, $0x1;
	s10 =	sld [smem:$0x3FB9];
	_ =	sdelay $0x3  }
0x37: {  	[smem:$0x3FB9] =	sst s10  }
0x38: {  	s10 =	sld [smem:$0x3FBA]  }
0x39: {  	_ = 	snop;
	(pc) =	sbr.ind lr, $3  }
0x3a: {  	_ = 	snop  }
0x3b: {  	_ = 	snop  }
0x3c: {  	p2 =	seq.s32 s10, $0x1;
	s10 =	sld [smem:$0x3FB9]  }
0x3d: {  	_ =	shalt  }
0x3e: {  	_ =	shalt  }
0x3f: {  	_ =	shalt  }
0x40: {  	_ =	shalt  }
0x41: {  	_ =	shalt  }
0x42: {  	_ =	shalt  }
0x43: {  	_ =	shalt  }
0x44: {  	_ =	shalt  }
0x45: {  	_ =	shalt  }
0x46: {  	_ =	shalt  }
0x47: {  	_ =	shalt  }
0x48: {  	_ =	shalt  }
0x49: {  	_ =	shalt  }
0x4a: {  	_ =	shalt  }
0x4b: {  	_ =	shalt  }
0x4c: {  	_ =	shalt  }
0x4d: {  	_ =	shalt  }
0x4e: {  	_ =	shalt  }
0x4f: {  	_ =	shalt  }
0x50: {  	_ =	shalt  }
0x51: {  	_ =	shalt  }
0x52: {  	_ =	shalt  }
0x53: {  	_ =	shalt  }
0x54: {  	_ =	shalt  }
0x55: {  	_ =	shalt  }
0x56: {  	_ =	shalt  }
0x57: {  	_ =	shalt  }
0x58: {  	_ =	shalt  }
0x59: {  	_ =	shalt  }
0x5a: {  	_ =	shalt  }
0x5b: {  	_ =	shalt  }
0x5c: {  	_ =	shalt  }
0x5d: {  	_ =	shalt  }
0x5e: {  	_ =	shalt  }
0x5f: {  	_ =	shalt  }
0x60: {  	_ =	shalt  }
0x61: {  	_ =	shalt  }
0x62: {  	_ =	shalt  }
0x63: {  	_ =	shalt  }
0x64: {  	_ =	shalt  }
0x65: {  	_ =	shalt  }
0x66: {  	_ =	shalt  }
0x67: {  	_ =	shalt  }
0x68: {  	_ =	shalt  }
0x69: {  	_ =	shalt  }
0x6a: {  	_ =	shalt  }
0x6b: {  	_ =	shalt  }
0x6c: {  	_ =	shalt  }
0x6d: {  	_ =	shalt  }
0x6e: {  	_ =	shalt  }
0x6f: {  	_ =	shalt  }
0x70: {  	_ =	shalt  }
0x71: {  	_ =	shalt  }
0x72: {  	_ =	shalt  }
0x73: {  	_ =	shalt  }
0x74: {  	_ =	shalt  }
0x75: {  	_ =	shalt  }
0x76: {  	_ =	shalt  }
0x77: {  	_ =	shalt  }
0x78: {  	_ =	shalt  }
0x79: {  	_ =	shalt  }
0x7a: {  	_ =	shalt  }
0x7b: {  	_ =	shalt  }
0x7c: {  	_ =	shalt  }
0x7d: {  	_ =	shalt  }
0x7e: {  	_ =	shalt  }
0x7f: {  	_ =	shalt  }
0x80: {  	_ =	shalt  }
0x81: {  	_ =	shalt  }
0x82: {  	_ =	shalt  }
0x83: {  	_ =	shalt  }
0x84: {  	_ =	shalt  }
0x85: {  	_ =	shalt  }
0x86: {  	_ =	shalt  }
0x87: {  	_ =	shalt  }
.Lfunc_end0:
.L_simem_size_0:
called_computation_lowered:
.L_overlay_start_0:
0x88: {  	s2 =	sld [smem:$0x3FD9]  }
0x89: {  	s3 =	sld [smem:$0x3FFE];
	_ =	sdelay $0x1  }
0x8a: {  	s1 =	srdreg.scid  }
0x8b: {  	s0 =	sand.u32 $0x1, s1  }
0x8c: {  	s17 =	sshll.u32 s0, $0xA;
	s2 =	sadd.s32 s3, s2  }
0x8d: {  	s2 =	sadd.s32 s2, s17  }
0x8e: {  	[smem:$0x3FC5] =	sst s2  }
0x8f: {  	_ = 	snop  }
0x90: {  	s2 =	sld [smem:$0x3FD0];
	(tm) =	ssettm $0x1  }
0x91: {  	s18 =	sld [smem:$0x3FFB];
	_ =	sdelay $0x3  }
0x92: {  	_ =	strace s18  }
0x93: {  	s3 =	sld [smem:$0x3FFC];
	_ =	sdelay $0x3  }
0x94: {  	_ =	strace s3  }
0x95: {  	s3 =	sld [smem:$0x3FFD];
	_ =	sdelay $0x3  }
0x96: {  	_ =	strace s3  }
0x97: {  	_ =	strace $0x8FFFFFFF  }
0x98: {  	s19 =	sld [smem:$0x3FDB];
	_ =	sdelay $0x1  }
0x99: {  	s4 =	simm.s32 $_scs_section_size  }
0x9a: {  	s5 =	simm.s32 $_size__tile_overlayer_lowered;
	s6 =	simm.s32 $_tile_overlayer_lowered  }
0x9b: {  	s22 =	simm.s32 $0x1BFF;
	s21 =	sshll.u32 s6, $0x1;
	s3 =	sadd.s32 s4, s19  }
0x9c: {  	s7 =	simm.s32 $0x0;
	s20 =	sshll.u32 s5, $0x1;
	s5 =	sadd.s32 s21, s3  }
0x9d: {  	[timem:s7], [sflag:s22] =	dma.local [hbm:s5], s20  }
0x9e: {  	_ =	swait.ge [sflag:s22], s20  }
0x9f: {  	s4 =	ssub.s32 $0x0, s20;
	[sflag:s22] =	ssyncset.done $0x0  }
0xa0: {  	[sflag:s22] =	ssyncadd.s32 s4;
	_ =	sdelay $0x1  }
0xa1: {  	s23 =	simm.s32 $0x1B8B  }
0xa2: {  	_ =	swait.ge [sflag:s23], $0x1  }
0xa3: {  	[sflag:s23] =	ssyncset.done $0x0  }
0xa4: {  	s25 =	simm.s32 $0x1B8E;
	s24 =	sld [smem:$0x3FFE];
	[sflag:s23] =	ssyncadd.s32 $0xFFFFFFFF  }
0xa5: {  	s26 =	simm.s32 $execute0_lowered;
	[smem:$0x3FD2] =	sst s25  }
0xa6: {  	s5 =	sshll.u32 s26, $0x1;
	_ =	strace $0x80000046;
	[dreg:$0x1] =	wrdreg $0xFFFFFFFF  }
0xa7: {  	s28 =	simm.s32 $_size_execute0_lowered;
	s3 =	sadd.s32 s3, s5;
	[dreg:$0x0] =	wrdreg $0x0  }
0xa8: {  	s5 =	sshll.u32 s28, $0x1;
	[dreg:$0x2] =	wrdreg s3  }
0xa9: {  	[dreg:$0x3] =	wrdreg s5  }
0xaa: {  	[dreg:$0x4] =	wrdreg $0xC0  }
0xab: {  	_ =	task [dreg:s7], $0x5FFFF  }
0xac: {  	[dreg:$0x1] =	wrdreg $0xFFFFFFFF  }
0xad: {  	[dreg:$0x0] =	wrdreg $0x60  }
0xae: {  	[dreg:$0x2] =	wrdreg s2  }
0xaf: {  	[dreg:$0x3] =	wrdreg s24  }
0xb0: {  	[dreg:$0x4] =	wrdreg $0x9  }
0xb1: {  	_ =	task.clear_ibuf [dreg:s7], $0x5FFFF;
	_ =	strace $0x90000046  }
0xb2: {  	s29 =	simm.s32 $0x9;
	_ =	strace $0x80000048  }
0xb3: {  	_ =	swait.ge [sflag:s29], $0x1  }
0xb4: {  	[sflag:s29] =	ssyncadd.s32 $0xFFFFFFFF  }
0xb5: {  	_ =	strace $0x90000048  }
0xb6: {  	_ =	sfence  }
0xb7: {  	s30 =	sld [smem:$0x0];
	_ =	sdelay $0x2  }
0xb8: {  	s31 =	sshll.u32 s1, $0xD;
	s1 =	sshrl.u32 s1, $0x2  }
0xb9: {  	s3 =	sand.u32 $0x4000, s31;
	s1 =	sadd.s32 s1, s30  }
0xba: {  	s0 =	sor.u32 s3, s0;
	s1 =	sshll.u32 s1, $0x11  }
0xbb: {  	s0 =	sor.u32 s1, s0  }
0xbc: {  	s0 =	sadd.s32 $0x8F2B, s0  }
0xbd: {  	[sflag:s0] =	ssyncadd.remote.s32 $0x1  }
0xbe: {  	_ =	sfence.sel $0xFFFF  }
0xbf: {  	[dreg:$0x0] =	wrdreg $0xFFFFFFFF;
	(pc) =	sbr.abs _section_cstart, $3  }
0xc0: {  	[dreg:$0x1] =	wrdreg $0xFFFFFFFF  }
0xc1: {  	_ =	task.clear_ibuf [dreg:s7], $0x2FFFF;
	_ =	strace $0x9FFFFFFF  }
0xc2: {  	(tm) =	ssettm $0x7FFFFFFF  }
0xc3: {  	_ =	shalt  }
tec
execute0_lowered:
.L_overlay_start_1:
0x0: {  	(tag) =	ssettag $0x1  }
0x1: {  	s5 =	rddreg [dreg:$0x0];
	s1 =	srdreg.scid  }
0x2: {  	s0 =	stileid.u32;
	s7 =	rddreg [dreg:$0x1]  }
0x3: {  	s11 =	simm.s32 $0x1;
	s12 =	simm.s32 $0xA00;
	s13 =	simm.s32 $0x1400  }
0x4: {  	s14 =	simm.s32 $0x1600;
	s15 =	simm.s32 $0xFC00;
	s16 =	simm.s32 $0x2000  }
0x5: {  	s17 =	simm.s32 $0x6800;
	s18 =	simm.s32 $0xA800;
	s19 =	simm.s32 $0xB200  }
0x6: {  	s20 =	simm.s32 $0x6400;
	s21 =	simm.s32 $0x6000;
	s22 =	simm.s32 $0xBC00  }
0x7: {  	s23 =	simm.s32 $0xFC80;
	s24 =	simm.s32 $0x0;
	s4 =	sand.u32 $0x1, s1  }
0x8: {  	s3 =	sshrl.u32 s0, $0x2;
	s30 =	sshll.u32 s0, $0x8;
	s2 =	sshll.u32 s4, $0x7  }
0x9: {  	s1 =	sand.u32 $0x300, s30;
	s6 =	smul.u32 $0x5000, s3;
	s3 =	sshll.u32 s3, $0x11  }
0xa: {  	s10 =	ssub.s32 $0x2, s4;
	s4 =	sadd.s32 $0x600, s7;
	s8 =	sor.u32 s2, s1  }
0xb: {  	s2 =	simm.s32 $0x0;
	s31 =	sshrl.u32 s10, $0x1;
	s6 =	sor.u32 s6, s8  }
0xc: {  	[smem:$0x7FF] =	sst s2;
	s8 =	sor.u32 s3, s8;
	s3 =	sadd.s32 $0x800, s7  }
0xd: {  	s6 =	sshrl.u32 s6, $0x3;
	_ =	strace $0x80000047;
	s8 =	sshrl.u32 s8, $0x3  }
0xe: {  	s9 =	sadd.s32 s6, s7;
	s7 =	sadd.s32 s8, s7;
	s8 =	ssub.s32 s10, s31  }
0xf: {  	v0 =	vimm.f32 $0.0e+00;
	v1 =	vlaneseq.u32;
	s5 =	sadd.s32 s5, s6;
	s10 =	simm.s32 $0x400;
	s6 =	sadd.s32 $0xA00, s9  }
0x10: {  	v2 =	vimm.s32 $0x0;
	v4 =	vimm.s32 $0x1;
	v3 =	vmul.u32 $0x400, v1;
	s7 =	sadd.s32 $0x3200, s7;
	s8 =	smax.u32 s8, $0x1;
	s9 =	simm.s32 $0x80  }
.LBB2_1:
0x11: {  	[tilespmem:s2], [sflag:$0x1] =	stream.strided.gather [hbm4b:s5+s9], $0xA00, s10, s9, $0x38;
	[tilespmem:$0xFD00] =	vst v63  }
0x12: {  	_ =	swait.ge [sflag:s11], $0xA00  }
0x13: {  	[sflag:s11] =	ssyncset.done $0x0  }
0x14: {  	[sflag:s11] =	ssyncadd.s32 $0xFFFFF600  }
0x15: {  	[tilespmem:s12], [sflag:$0x1] =	stream.strided.gather [hbm4b:s6+s9], $0xA00, s10, s9, $0x38;
	[tilespmem:$0xFD00] =	vst v63  }
0x16: {  	_ =	swait.ge [sflag:s11], $0xA00  }
0x17: {  	[sflag:s11] =	ssyncset.done $0x0  }
0x18: {  	[sflag:s11] =	ssyncadd.s32 $0xFFFFF600  }
0x19: {  	[tilespmem:s13], [sflag:$0x1] =	stream.linear.gather [hbm4b:s3+s2], $0x200, $0x38;
	[tilespmem:$0xFD00] =	vst v63  }
0x1a: {  	_ =	swait.ge [sflag:s11], $0x200  }
0x1b: {  	[sflag:s11] =	ssyncset.done $0x0  }
0x1c: {  	[sflag:s11] =	ssyncadd.s32 $0xFFFFFE00  }
0x1d: {  	[tilespmem:s14], [sflag:$0x1] =	stream.linear.gather [hbm4b:s4+s2], $0xA00, $0x38;
	[tilespmem:$0xFD00] =	vst v63  }
0x1e: {  	_ =	swait.ge [sflag:s11], $0xA00  }
0x1f: {  	[sflag:s11] =	ssyncset.done $0x0  }
0x20: {  	s25 =	simm.s32 $0x0;
	s26 =	simm.s32 $0x200;
	[sflag:s11] =	ssyncadd.s32 $0xFFFFF600  }
.LBB2_2:
0x21: {  	p0 =	sne.s32 s26, $0xFE00;
	[tilespmem:s25+$0x2070] =	vst v2  }
0x22: {  	[tilespmem:s25+$0xBC00] =	vst v0  }
0x23: {  	[tilespmem:s25+$0x2000] =	vst v2  }
0x24: {  	[tilespmem:s25+$0xBC10] =	vst v0  }
0x25: {  	[tilespmem:s25+$0x2010] =	vst v2  }
0x26: {  	[tilespmem:s25+$0xBC20] =	vst v0  }
0x27: {  	[tilespmem:s25+$0x2020] =	vst v2  }
0x28: {  	[tilespmem:s25+$0xBC30] =	vst v0  }
0x29: {  	[tilespmem:s25+$0x2030] =	vst v2  }
0x2a: {  	[tilespmem:s25+$0xBC40] =	vst v0  }
0x2b: {  	[tilespmem:s25+$0x2040] =	vst v2  }
.Ltmp0:
0x2c: {  	[tilespmem:s25+$0xBC50] =	vst v0;
	(pc) =	sbr.rel @p0 .LBB2_2-.Ltmp0, $4  }
0x2d: {  	[tilespmem:s25+$0x2050] =	vst v2  }
0x2e: {  	[tilespmem:s25+$0xBC60] =	vst v0  }
0x2f: {  	[tilespmem:s25+$0x2060] =	vst v2  }
0x30: {  	[tilespmem:s25+$0xBC70] =	vst v0;
	s25 =	sshra.s32 s26, $0x2;
	s26 =	sadd.s32 $0x200, s26  }
0x31: {  	[tilespmem:s25+$0x2070] =	vst v2  }
0x32: {  	[tilespmem:s25+$0xBC00] =	vst v0  }
0x33: {  	[tilespmem:s25+$0x2000] =	vst v2  }
0x34: {  	[tilespmem:s25+$0xBC10] =	vst v0  }
0x35: {  	[tilespmem:s25+$0x2010] =	vst v2  }
0x36: {  	[tilespmem:s25+$0xBC20] =	vst v0  }
0x37: {  	[tilespmem:s25+$0x2020] =	vst v2  }
0x38: {  	[tilespmem:s25+$0xBC30] =	vst v0  }
0x39: {  	[tilespmem:s25+$0x2030] =	vst v2  }
0x3a: {  	[tilespmem:s25+$0xBC40] =	vst v0  }
0x3b: {  	[tilespmem:s25+$0x2040] =	vst v2  }
0x3c: {  	[tilespmem:s25+$0xBC50] =	vst v0  }
0x3d: {  	[tilespmem:s25+$0x2050] =	vst v2  }
0x3e: {  	[tilespmem:s25+$0xBC60] =	vst v0  }
0x3f: {  	[tilespmem:s25+$0x2060] =	vst v2  }
0x40: {  	[tilespmem:s25+$0xBC70] =	vst v0  }
0x41: {  	[tilespmem:$0xFC00] =	vst v0  }
0x42: {  	[tilespmem:$0xFC10] =	vst v0  }
0x43: {  	[tilespmem:$0xFC20] =	vst v0  }
0x44: {  	[tilespmem:$0xFC30] =	vst v0  }
0x45: {  	[tilespmem:$0xFC40] =	vst v0  }
0x46: {  	[tilespmem:$0xFC50] =	vst v0  }
0x47: {  	[tilespmem:$0xFC60] =	vst v0  }
0x48: {  	s25 =	simm.s32 $0x0;
	s26 =	simm.s32 $0x0;
	[tilespmem:$0xFC70] =	vst v0  }
.LBB2_4:
0x49: {  	s28 =	sshra.s32 s26, $0x2  }
0x4a: {  	v5 =	vld [tilespmem:s28+$0xA00]  }
0x4b: {  	v6 =	vld [tilespmem:s28+$0x1600]  }
0x4c: {  	v7 =	vld [tilespmem:s28+$0x0];
	_ =	sdelay $0x2  }
0x4d: {  	vm0 =	vlt.f32 v5, $0.0e+00;
	vm1 =	vgt.f32 v5, $0.0e+00  }
0x4e: {  	v6 =	vshra.s32 v6, $0x8;
	vm0 =	vmor vm1, vm0  }
0x4f: {  	v7 =	vadd.s32 v3, v7;
	_ =	sdelay $0x3  }
0x50: {  	[tilespmem:v6+s15+$0x0] =	vst.idx.add.f32.msk $0xffff, v5  }
0x51: {  	[tilespmem:v7+s16+$0x0] =	vst.idx.add.s32.msk vm0, v4  }
0x52: {  	v5 =	vld [tilespmem:s28+$0xA10]  }
0x53: {  	v6 =	vld [tilespmem:s28+$0x1610]  }
0x54: {  	v7 =	vld [tilespmem:s28+$0x10];
	_ =	sdelay $0x2  }
0x55: {  	vm10 =	vlt.f32 v5, $0.0e+00;
	vm11 =	vgt.f32 v5, $0.0e+00  }
0x56: {  	v6 =	vshra.s32 v6, $0x8;
	vm0 =	vmor vm11, vm10  }
0x57: {  	v7 =	vadd.s32 v3, v7;
	_ =	sdelay $0x3  }
0x58: {  	[tilespmem:v6+s15+$0x0] =	vst.idx.add.f32.msk $0xffff, v5  }
0x59: {  	[tilespmem:v7+s16+$0x0] =	vst.idx.add.s32.msk vm0, v4  }
0x5a: {  	v5 =	vld [tilespmem:s28+$0xA20]  }
0x5b: {  	v6 =	vld [tilespmem:s28+$0x1620]  }
0x5c: {  	v7 =	vld [tilespmem:s28+$0x20];
	_ =	sdelay $0x2  }
0x5d: {  	vm12 =	vlt.f32 v5, $0.0e+00;
	vm13 =	vgt.f32 v5, $0.0e+00  }
0x5e: {  	v6 =	vshra.s32 v6, $0x8;
	vm0 =	vmor vm13, vm12  }
0x5f: {  	v7 =	vadd.s32 v3, v7;
	_ =	sdelay $0x3  }
0x60: {  	[tilespmem:v6+s15+$0x0] =	vst.idx.add.f32.msk $0xffff, v5  }
0x61: {  	[tilespmem:v7+s16+$0x0] =	vst.idx.add.s32.msk vm0, v4  }
0x62: {  	v5 =	vld [tilespmem:s28+$0xA30]  }
0x63: {  	v6 =	vld [tilespmem:s28+$0x1630]  }
0x64: {  	v7 =	vld [tilespmem:s28+$0x30];
	_ =	sdelay $0x2  }
0x65: {  	vm14 =	vlt.f32 v5, $0.0e+00;
	vm15 =	vgt.f32 v5, $0.0e+00  }
0x66: {  	v6 =	vshra.s32 v6, $0x8;
	vm0 =	vmor vm15, vm14  }
0x67: {  	p0 =	sne.s32 s26, $0x2700;
	v7 =	vadd.s32 v3, v7  }
.Ltmp1:
0x68: {  	_ = 	snop;
	(pc) =	sbr.rel @p0 .LBB2_4-.Ltmp1, $3  }
0x69: {  	_ =	sdelay $0x1  }
0x6a: {  	[tilespmem:v6+s15+$0x0] =	vst.idx.add.f32.msk $0xffff, v5  }
0x6b: {  	s26 =	sadd.s32 $0x100, s26;
	[tilespmem:v7+s16+$0x0] =	vst.idx.add.s32.msk vm0, v4  }
0x6c: {  	s26 =	simm.s32 $0x0  }
0x6d: {  	v5 =	vld [tilespmem:s26+$0x2000]  }
0x6e: {  	v6 =	vld [tilespmem:s26+$0x2400]  }
0x6f: {  	v7 =	vld [tilespmem:s26+$0x2800]  }
0x70: {  	v8 =	vld [tilespmem:s26+$0x2C00]  }
0x71: {  	v9 =	vld [tilespmem:s26+$0x3000]  }
0x72: {  	v10 =	vld [tilespmem:s26+$0x3400]  }
0x73: {  	v5 =	vadd.s32 v5, v6;
	v6 =	vld [tilespmem:s26+$0x3800]  }
0x74: {  	v5 =	vadd.s32 v7, v5;
	v7 =	vld [tilespmem:s26+$0x3C00]  }
0x75: {  	v5 =	vadd.s32 v8, v5;
	v8 =	vld [tilespmem:s26+$0x4000]  }
0x76: {  	v5 =	vadd.s32 v9, v5;
	v9 =	vld [tilespmem:s26+$0x4400]  }
0x77: {  	v5 =	vadd.s32 v10, v5;
	v10 =	vld [tilespmem:s26+$0x4800]  }
0x78: {  	v5 =	vadd.s32 v6, v5;
	v6 =	vld [tilespmem:s26+$0x4C00]  }
0x79: {  	v5 =	vadd.s32 v7, v5;
	v7 =	vld [tilespmem:s26+$0x5000]  }
0x7a: {  	v5 =	vadd.s32 v8, v5;
	v8 =	vld [tilespmem:s26+$0x5400]  }
0x7b: {  	v5 =	vadd.s32 v9, v5;
	v9 =	vld [tilespmem:s26+$0x5800]  }
0x7c: {  	v5 =	vadd.s32 v10, v5;
	v10 =	vld [tilespmem:s26+$0x5C00]  }
0x7d: {  	v11 =	vld [tilespmem:s26+$0x4800];
	v6 =	vadd.s32 v6, v5  }
0x7e: {  	v12 =	vld [tilespmem:s26+$0x4400];
	v7 =	vadd.s32 v7, v6  }
0x7f: {  	v13 =	vld [tilespmem:s26+$0x4000];
	v8 =	vadd.s32 v8, v7  }
0x80: {  	v14 =	vld [tilespmem:s26+$0x3C00];
	v8 =	vadd.s32 v9, v8  }
0x81: {  	v15 =	vld [tilespmem:s26+$0x3800];
	v8 =	vadd.s32 v10, v8  }
0x82: {  	v16 =	vld [tilespmem:s26+$0x2000];
	(xrf0) =	vadd.scan.msk.s32 $0xffff, v8  }
0x83: {  	v21 =	vld [tilespmem:s26+$0x2400]  }
0x84: {  	v17 =	vld [tilespmem:s26+$0x2800]  }
0x85: {  	v19 =	vld [tilespmem:s26+$0x2C00]  }
0x86: {  	v18 =	vld [tilespmem:s26+$0x3000]  }
0x87: {  	v20 =	vld [tilespmem:s26+$0x3400]  }
0x88: {  	v5 =	vld [tilespmem:s26+$0x5800];
	v10, _, _ =	vpop (xrf0)  }
0x89: {  	v6 =	vld [tilespmem:s26+$0x5400];
	[tilespmem:s26+$0x6000] =	vst v8;
	v8 =	vsub.s32 v10, v8  }
0x8a: {  	v7 =	vld [tilespmem:s26+$0x5000];
	v8 =	vadd.s32 s25, v8  }
0x8b: {  	s28 =	simm.s32 $0x10;
	v9 =	vld [tilespmem:s26+$0x4C00];
	[tilespmem:s26+$0x6400] =	vst v8;
	v22 =	vadd.s32 v16, v8  }
0x8c: {  	s29 =	simm.s32 $0x80;
	v16 =	vld [tilespmem:s28+$0x2000];
	[tilespmem:s26+$0x6C00] =	vst v22;
	v21 =	vadd.s32 v21, v22  }
.LBB2_6:
0x8d: {  	p0 =	sne.s32 s29, $0xFC0;
	v22 =	vld [tilespmem:s28+$0x2400];
	[tilespmem:s26+$0x7000] =	vst v21;
	v17 =	vadd.s32 v21, v17  }
0x8e: {  	v21 =	vld [tilespmem:s28+$0x2800];
	[tilespmem:s26+$0x7400] =	vst v17;
	v17 =	vadd.s32 v17, v19  }
0x8f: {  	v19 =	vld [tilespmem:s28+$0x2C00];
	[tilespmem:s26+$0x7800] =	vst v17;
	v17 =	vadd.s32 v17, v18  }
0x90: {  	v18 =	vld [tilespmem:s28+$0x3000];
	[tilespmem:s26+$0x7C00] =	vst v17;
	v17 =	vadd.s32 v17, v20  }
0x91: {  	v20 =	vld [tilespmem:s28+$0x3400];
	[tilespmem:s26+$0x8000] =	vst v17;
	v15 =	vadd.s32 v17, v15  }
0x92: {  	v16 =	vadd.s32 v16, v22;
	v17 =	vld [tilespmem:s28+$0x3800];
	[tilespmem:s26+$0x8400] =	vst v15;
	v14 =	vadd.s32 v15, v14  }
0x93: {  	v15 =	vadd.s32 v21, v16;
	v16 =	vld [tilespmem:s28+$0x3C00];
	[tilespmem:s26+$0x8800] =	vst v14;
	v13 =	vadd.s32 v14, v13  }
0x94: {  	v14 =	vadd.s32 v19, v15;
	v15 =	vld [tilespmem:s28+$0x4000];
	[tilespmem:s26+$0x8C00] =	vst v13;
	v12 =	vadd.s32 v13, v12  }
0x95: {  	v13 =	vadd.s32 v18, v14;
	v14 =	vld [tilespmem:s28+$0x4400];
	[tilespmem:s26+$0x9000] =	vst v12;
	v11 =	vadd.s32 v12, v11  }
0x96: {  	v12 =	vadd.s32 v20, v13;
	v13 =	vld [tilespmem:s28+$0x4800];
	[tilespmem:s26+$0x9400] =	vst v11;
	v9 =	vadd.s32 v11, v9  }
0x97: {  	v11 =	vadd.s32 v17, v12;
	v12 =	vld [tilespmem:s28+$0x4C00];
	[tilespmem:s26+$0x9800] =	vst v9;
	v7 =	vadd.s32 v9, v7  }
0x98: {  	v9 =	vadd.s32 v16, v11;
	v11 =	vld [tilespmem:s28+$0x5000];
	[tilespmem:s26+$0x9C00] =	vst v7;
	v6 =	vadd.s32 v7, v6;
	(v2sf) =	vpush v10, $0xF  }
0x99: {  	v7 =	vadd.s32 v15, v9;
	v9 =	vld [tilespmem:s28+$0x5400];
	[tilespmem:s26+$0xA000] =	vst v6;
	v5 =	vadd.s32 v6, v5  }
0x9a: {  	v6 =	vadd.s32 v14, v7;
	v10 =	vld [tilespmem:s28+$0x5800];
	[tilespmem:s26+$0xA400] =	vst v5  }
0x9b: {  	v5 =	vadd.s32 v13, v6;
	v13 =	vld [tilespmem:s28+$0x5C00];
	[tilespmem:s26+$0x6800] =	vst v8;
	s26 =	smov.u32 s28  }
0x9c: {  	v6 =	vadd.s32 v12, v5;
	v5 =	vld [tilespmem:s26+$0x5800]  }
0x9d: {  	v7 =	vadd.s32 v11, v6;
	v6 =	vld [tilespmem:s26+$0x5400]  }
0x9e: {  	v8 =	vadd.s32 v9, v7;
	v7 =	vld [tilespmem:s26+$0x5000]  }
0x9f: {  	v8 =	vadd.s32 v10, v8;
	v9 =	vld [tilespmem:s26+$0x4C00]  }
0xa0: {  	v8 =	vadd.s32 v13, v8;
	v11 =	vld [tilespmem:s26+$0x4800]  }
0xa1: {  	[tilespmem:s26+$0x6000] =	vst v8;
	v12 =	vld [tilespmem:s26+$0x4400];
	(xrf0) =	vadd.scan.msk.s32 $0xffff, v8  }
0xa2: {  	v13 =	vld [tilespmem:s26+$0x4000]  }
0xa3: {  	v14 =	vld [tilespmem:s26+$0x3C00]  }
0xa4: {  	v15 =	vld [tilespmem:s26+$0x3800]  }
0xa5: {  	v16 =	vld [tilespmem:s26+$0x2000]  }
0xa6: {  	v21 =	vld [tilespmem:s26+$0x2400]  }
.Ltmp2:
0xa7: {  	v17 =	vld [tilespmem:s26+$0x2800];
	v10, _, _ =	vpop (xrf0);
	s28 =	spop (v2sf);
	(pc) =	sbr.rel @p0 .LBB2_6-.Ltmp2, $4  }
0xa8: {  	v8 =	vsub.s32 v10, v8;
	v19 =	vld [tilespmem:s26+$0x2C00];
	s25 =	sadd.s32 s25, s28  }
0xa9: {  	v8 =	vadd.s32 s25, v8;
	v18 =	vld [tilespmem:s26+$0x3000]  }
0xaa: {  	s28 =	sshra.s32 s29, $0x2;
	[tilespmem:s26+$0x6400] =	vst v8;
	v22 =	vadd.s32 v16, v8;
	v20 =	vld [tilespmem:s26+$0x3400]  }
0xab: {  	s29 =	sadd.s32 $0x40, s29;
	v16 =	vld [tilespmem:s28+$0x2000];
	[tilespmem:s26+$0x6C00] =	vst v22;
	v21 =	vadd.s32 v21, v22  }
0xac: {  	v22 =	vld [tilespmem:s28+$0x2400];
	[tilespmem:s26+$0x7000] =	vst v21;
	v17 =	vadd.s32 v21, v17  }
0xad: {  	v38 =	vld [tilespmem:s28+$0x2800];
	[tilespmem:s26+$0x7400] =	vst v17;
	v17 =	vadd.s32 v17, v19  }
0xae: {  	v39 =	vld [tilespmem:s28+$0x2C00];
	[tilespmem:s26+$0x7800] =	vst v17;
	v17 =	vadd.s32 v17, v18  }
0xaf: {  	v40 =	vld [tilespmem:s28+$0x3000];
	[tilespmem:s26+$0x7C00] =	vst v17;
	v17 =	vadd.s32 v17, v20  }
0xb0: {  	v41 =	vld [tilespmem:s28+$0x3400];
	[tilespmem:s26+$0x8000] =	vst v17;
	v15 =	vadd.s32 v17, v15  }
0xb1: {  	v42 =	vld [tilespmem:s28+$0x3800];
	[tilespmem:s26+$0x8400] =	vst v15;
	v14 =	vadd.s32 v15, v14;
	v16 =	vadd.s32 v16, v22  }
0xb2: {  	v43 =	vld [tilespmem:s28+$0x3C00];
	[tilespmem:s26+$0x8800] =	vst v14;
	v13 =	vadd.s32 v14, v13;
	v16 =	vadd.s32 v38, v16  }
0xb3: {  	v44 =	vld [tilespmem:s28+$0x4000];
	[tilespmem:s26+$0x8C00] =	vst v13;
	v12 =	vadd.s32 v13, v12;
	v16 =	vadd.s32 v39, v16  }
0xb4: {  	v45 =	vld [tilespmem:s28+$0x4400];
	[tilespmem:s26+$0x9000] =	vst v12;
	v11 =	vadd.s32 v12, v11;
	v16 =	vadd.s32 v40, v16  }
0xb5: {  	v46 =	vld [tilespmem:s28+$0x4800];
	[tilespmem:s26+$0x9400] =	vst v11;
	v9 =	vadd.s32 v11, v9;
	v16 =	vadd.s32 v41, v16  }
0xb6: {  	v47 =	vld [tilespmem:s28+$0x4C00];
	[tilespmem:s26+$0x9800] =	vst v9;
	v7 =	vadd.s32 v9, v7;
	v16 =	vadd.s32 v42, v16  }
0xb7: {  	(v2sf) =	vpush v10, $0xF;
	v48 =	vld [tilespmem:s28+$0x5000];
	[tilespmem:s26+$0x9C00] =	vst v7;
	v6 =	vadd.s32 v7, v6;
	v15 =	vadd.s32 v43, v16  }
0xb8: {  	v7 =	vld [tilespmem:s28+$0x5400];
	[tilespmem:s26+$0xA000] =	vst v6;
	v5 =	vadd.s32 v6, v5;
	v49 =	vadd.s32 v44, v15  }
0xb9: {  	v6 =	vld [tilespmem:s28+$0x5800];
	[tilespmem:s26+$0xA400] =	vst v5;
	v5 =	vadd.s32 v45, v49  }
0xba: {  	v50 =	vld [tilespmem:s28+$0x5C00];
	v5 =	vadd.s32 v46, v5  }
0xbb: {  	v5 =	vadd.s32 v47, v5  }
0xbc: {  	v5 =	vadd.s32 v48, v5  }
0xbd: {  	v5 =	vadd.s32 v7, v5  }
0xbe: {  	v5 =	vadd.s32 v6, v5  }
0xbf: {  	v5 =	vadd.s32 v50, v5  }
0xc0: {  	(xrf0) =	vadd.scan.msk.s32 $0xffff, v5;
	_ =	sdelay $0x3  }
0xc1: {  	[tilespmem:s26+$0x6800] =	vst v8  }
0xc2: {  	v57 =	vld [tilespmem:s28+$0x2000]  }
0xc3: {  	v58 =	vld [tilespmem:s28+$0x2400];
	s30 =	spop (v2sf);
	v60, _, _ =	vpop (xrf0)  }
0xc4: {  	v59 =	vld [tilespmem:s28+$0x2800];
	s25 =	sadd.s32 s25, s30;
	[tilespmem:s28+$0x6000] =	vst v5;
	v5 =	vsub.s32 v60, v5  }
0xc5: {  	v61 =	vld [tilespmem:s28+$0x2C00];
	v5 =	vadd.s32 s25, v5  }
0xc6: {  	v62 =	vld [tilespmem:s28+$0x3000];
	(v2sf) =	vpush v60, $0xF;
	[tilespmem:s28+$0x6400] =	vst v5  }
0xc7: {  	v63 =	vld [tilespmem:s28+$0x3400];
	v15 =	vadd.s32 v57, v5;
	[tilespmem:s28+$0x6800] =	vst v5  }
0xc8: {  	v56 =	vld [tilespmem:s28+$0x3800];
	[tilespmem:s28+$0x6C00] =	vst v15;
	v15 =	vadd.s32 v58, v15  }
0xc9: {  	v55 =	vld [tilespmem:s28+$0x3C00];
	[tilespmem:s28+$0x7000] =	vst v15;
	v15 =	vadd.s32 v15, v59  }
0xca: {  	v54 =	vld [tilespmem:s28+$0x4000];
	[tilespmem:s28+$0x7400] =	vst v15;
	v15 =	vadd.s32 v15, v61  }
0xcb: {  	v53 =	vld [tilespmem:s28+$0x4400];
	[tilespmem:s28+$0x7800] =	vst v15;
	v15 =	vadd.s32 v15, v62  }
0xcc: {  	v52 =	vld [tilespmem:s28+$0x4800];
	[tilespmem:s28+$0x7C00] =	vst v15;
	v15 =	vadd.s32 v15, v63  }
0xcd: {  	v6 =	vld [tilespmem:s28+$0x4C00];
	[tilespmem:s28+$0x8000] =	vst v15;
	v14 =	vadd.s32 v15, v56  }
0xce: {  	v7 =	vld [tilespmem:s28+$0x5000];
	[tilespmem:s28+$0x8400] =	vst v14;
	v13 =	vadd.s32 v14, v55  }
0xcf: {  	v51 =	vld [tilespmem:s28+$0x5400];
	[tilespmem:s28+$0x8800] =	vst v13;
	v12 =	vadd.s32 v13, v54  }
0xd0: {  	v8 =	vld [tilespmem:s28+$0x5800];
	[tilespmem:s28+$0x8C00] =	vst v12;
	v11 =	vadd.s32 v12, v53  }
0xd1: {  	[tilespmem:s28+$0x9000] =	vst v11;
	v10 =	vadd.s32 v11, v52  }
0xd2: {  	[tilespmem:s28+$0x9400] =	vst v10;
	v6 =	vadd.s32 v10, v6  }
0xd3: {  	[tilespmem:s28+$0x9800] =	vst v6;
	v6 =	vadd.s32 v6, v7  }
0xd4: {  	[tilespmem:s28+$0x9C00] =	vst v6;
	v6 =	vadd.s32 v6, v51  }
0xd5: {  	s31 =	spop (v2sf);
	[tilespmem:s28+$0xA000] =	vst v6;
	v6 =	vadd.s32 v6, v8  }
0xd6: {  	s26 =	simm.s32 $0x0;
	s25 =	sadd.s32 s25, s31;
	[tilespmem:s28+$0xA400] =	vst v6  }
.LBB2_8:
0xd7: {  	s28 =	sshra.s32 s26, $0x2  }
0xd8: {  	v5 =	vld [tilespmem:s28+$0xA00];
	_ =	sdelay $0x1  }
0xd9: {  	v6 =	vld [tilespmem:s28+$0x0];
	_ =	sdelay $0x2  }
0xda: {  	vm0 =	vlt.f32 v5, $0.0e+00;
	vm1 =	vgt.f32 v5, $0.0e+00  }
0xdb: {  	vm0 =	vmor vm1, vm0  }
0xdc: {  	v5 =	vadd.s32 v3, v6;
	_ =	sdelay $0x4  }
0xdd: {  	v7 =	vld.idx.msk [tilespmem:v5+s17+$0x0], vm0;
	_ =	sdelay $0x2  }
0xde: {  	v8 =	vld [tilespmem:s28+$0x1600];
	_ =	sdelay $0x4  }
0xdf: {  	[tilespmem:v7+s18+$0x0] =	vst.idx.msk vm0, v8  }
0xe0: {  	[tilespmem:v7+s19+$0x0] =	vst.idx.msk vm0, v6;
	v6 =	vadd.s32 $0x1, v7  }
0xe1: {  	[tilespmem:v5+s17+$0x0] =	vst.idx.msk vm0, v6  }
0xe2: {  	v5 =	vld [tilespmem:s28+$0xA10];
	_ =	sdelay $0x1  }
0xe3: {  	v6 =	vld [tilespmem:s28+$0x10];
	_ =	sdelay $0x2  }
0xe4: {  	vm10 =	vlt.f32 v5, $0.0e+00;
	vm11 =	vgt.f32 v5, $0.0e+00  }
0xe5: {  	vm0 =	vmor vm11, vm10  }
0xe6: {  	v5 =	vadd.s32 v3, v6;
	_ =	sdelay $0x4  }
0xe7: {  	v7 =	vld.idx.msk [tilespmem:v5+s17+$0x0], vm0;
	_ =	sdelay $0x2  }
0xe8: {  	v8 =	vld [tilespmem:s28+$0x1610];
	_ =	sdelay $0x4  }
0xe9: {  	[tilespmem:v7+s18+$0x0] =	vst.idx.msk vm0, v8  }
0xea: {  	[tilespmem:v7+s19+$0x0] =	vst.idx.msk vm0, v6;
	v6 =	vadd.s32 $0x1, v7  }
0xeb: {  	[tilespmem:v5+s17+$0x0] =	vst.idx.msk vm0, v6  }
0xec: {  	v5 =	vld [tilespmem:s28+$0xA20];
	_ =	sdelay $0x1  }
0xed: {  	v6 =	vld [tilespmem:s28+$0x20];
	_ =	sdelay $0x2  }
0xee: {  	vm12 =	vlt.f32 v5, $0.0e+00;
	vm13 =	vgt.f32 v5, $0.0e+00  }
0xef: {  	vm0 =	vmor vm13, vm12  }
0xf0: {  	v5 =	vadd.s32 v3, v6;
	_ =	sdelay $0x4  }
0xf1: {  	v7 =	vld.idx.msk [tilespmem:v5+s17+$0x0], vm0;
	_ =	sdelay $0x2  }
0xf2: {  	v8 =	vld [tilespmem:s28+$0x1620];
	_ =	sdelay $0x4  }
0xf3: {  	[tilespmem:v7+s18+$0x0] =	vst.idx.msk vm0, v8  }
0xf4: {  	[tilespmem:v7+s19+$0x0] =	vst.idx.msk vm0, v6;
	v6 =	vadd.s32 $0x1, v7  }
0xf5: {  	[tilespmem:v5+s17+$0x0] =	vst.idx.msk vm0, v6  }
0xf6: {  	v5 =	vld [tilespmem:s28+$0xA30];
	_ =	sdelay $0x1  }
0xf7: {  	v6 =	vld [tilespmem:s28+$0x30];
	_ =	sdelay $0x2  }
0xf8: {  	vm14 =	vlt.f32 v5, $0.0e+00;
	vm15 =	vgt.f32 v5, $0.0e+00  }
0xf9: {  	vm0 =	vmor vm15, vm14  }
0xfa: {  	v5 =	vadd.s32 v3, v6;
	_ =	sdelay $0x4  }
0xfb: {  	v7 =	vld.idx.msk [tilespmem:v5+s17+$0x0], vm0;
	_ =	sdelay $0x2  }
0xfc: {  	v8 =	vld [tilespmem:s28+$0x1630];
	_ =	sdelay $0x1  }
0xfd: {  	p0 =	sne.s32 s26, $0x2700  }
.Ltmp3:
0xfe: {  	_ = 	snop;
	(pc) =	sbr.rel @p0 .LBB2_8-.Ltmp3, $4  }
0xff: {  	_ = 	snop  }
0x100: {  	[tilespmem:v7+s18+$0x0] =	vst.idx.msk vm0, v8  }
0x101: {  	[tilespmem:v7+s19+$0x0] =	vst.idx.msk vm0, v6;
	v6 =	vadd.s32 $0x1, v7  }
0x102: {  	s26 =	sadd.s32 $0x100, s26;
	[tilespmem:v5+s17+$0x0] =	vst.idx.msk vm0, v6  }
0x103: {  	v5 =	vld [tilespmem:$0xFC00]  }
0x104: {  	v6 =	vld [tilespmem:$0xFC10]  }
0x105: {  	v7 =	vld [tilespmem:$0xFC20]  }
0x106: {  	v8 =	vld [tilespmem:$0xFC30]  }
0x107: {  	v9 =	vld [tilespmem:$0xFC40]  }
0x108: {  	v10 =	vld [tilespmem:$0xFC50];
	v5 =	vmax.f32 v5, $1.000000000e+00  }
0x109: {  	(erf) = vrcp.f32 v5;
	v5 =	vmax.f32 v6, $1.000000000e+00;
	v6 =	vld [tilespmem:$0xFC60]  }
0x10a: {  	(erf) = vrcp.f32 v5;
	v5 =	vmax.f32 v7, $1.000000000e+00;
	v7 =	vld [tilespmem:$0xFC70]  }
0x10b: {  	(erf) = vrcp.f32 v5;
	v5 =	vmax.f32 v8, $1.000000000e+00  }
0x10c: {  	(erf) = vrcp.f32 v5;
	v5 =	vmax.f32 v9, $1.000000000e+00  }
0x10d: {  	(erf) = vrcp.f32 v5;
	v5 =	vmax.f32 v10, $1.000000000e+00  }
0x10e: {  	(erf) = vrcp.f32 v5;
	v5 =	vmax.f32 v6, $1.000000000e+00  }
0x10f: {  	(erf) = vrcp.f32 v5;
	v5 =	vmax.f32 v7, $1.000000000e+00  }
0x110: {  	(erf) = vrcp.f32 v5;
	_ =	sdelay $0x1  }
0x111: {  	v5 =	vpop (erf)  }
0x112: {  	v6 =	vpop (erf);
	[tilespmem:$0xFC80] =	vst v5  }
0x113: {  	v5 =	vpop (erf);
	[tilespmem:$0xFC90] =	vst v6  }
0x114: {  	v6 =	vpop (erf);
	[tilespmem:$0xFCA0] =	vst v5  }
.Ltmp4:
0x115: {  	v5 =	vpop (erf);
	[tilespmem:$0xFCB0] =	vst v6;
	(pc) =	sbr.rel .LBB2_10-.Ltmp4, $4  }
0x116: {  	v6 =	vpop (erf);
	[tilespmem:$0xFCC0] =	vst v5  }
0x117: {  	v5 =	vpop (erf);
	[tilespmem:$0xFCD0] =	vst v6  }
0x118: {  	[tilespmem:$0xFCE0] =	vst v5;
	v5 =	vpop (erf)  }
0x119: {  	s26 =	simm.s32 $0x0;
	[tilespmem:$0xFCF0] =	vst v5;
	v5 =	vmov s25;
	s25 =	simm.s32 $0x0  }
.LBB2_12:
0x11a: {  	s29 =	simm.s32 $0x0  }
.LBB2_15:
0x11b: {  	_ =	sdelay $0x4  }
0x11c: {  	[tilespmem:v12+s22+$0x0] =	vst.idx.add.f32.msk @p0 vm2, v11  }
0x11d: {  	v10 =	vld.idx.msk [tilespmem:v10+s18+$0x0], vm1;
	_ =	sdelay $0x4  }
0x11e: {  	v62 =	vand.u32 $0xFF, v10  }
0x11f: {  	v11 =	vadd.s32 v9, v62;
	_ =	sdelay $0x1  }
0x120: {  	s1 =	sadd.s32 $0x1, s29  }
0x121: {  	v63 =	vmov s1  }
0x122: {  	vm15 =	vlt.s32 v63, v6;
	v10 =	vshra.s32 v10, $0x8  }
0x123: {  	vm0 =	vmand vm0, vm15;
	v10 =	vadd.s32 v8, v10;
	v6 =	vld.idx.msk [tilespmem:v11+s13+$0x0], vm1  }
0x124: {  	v7 =	vadd.s32 s1, v7;
	_ =	sdelay $0x3  }
0x125: {  	[tilespmem:v10+s22+$0x0] =	vst.idx.add.f32.msk vm1, v6  }
0x126: {  	v6 =	vld.idx.msk [tilespmem:v7+s18+$0x0], vm0;
	_ =	sdelay $0x4  }
0x127: {  	v7 =	vand.u32 $0xFF, v6  }
0x128: {  	v7 =	vadd.s32 v9, v7;
	_ =	sdelay $0x3  }
0x129: {  	v6 =	vshra.s32 v6, $0x8  }
0x12a: {  	v6 =	vadd.s32 v8, v6;
	v7 =	vld.idx.msk [tilespmem:v7+s13+$0x0], vm0;
	_ =	sdelay $0x4  }
0x12b: {  	[tilespmem:v6+s22+$0x0] =	vst.idx.add.f32.msk vm0, v7  }
.LBB2_16:
0x12c: {  	s26 =	sadd.s32 $0x1, s26  }
0x12d: {  	p0 =	sne.s32 s26, $0xA0  }
.Ltmp5:
0x12e: {  	_ = 	snop;
	(pc) =	sbr.rel @!p0 .LBB2_17-.Ltmp5, $1  }
0x12f: {  	_ =	sdelay $0x3  }
.LBB2_10:
0x130: {  	s29 =	sshll.u32 s26, $0x4  }
0x131: {  	v7 =	vld [tilespmem:s29+$0xB200]  }
0x132: {  	v6 =	vor.u32 s29, v1  }
0x133: {  	vm0 =	vlt.s32 v6, v5;
	_ =	sdelay $0x5  }
0x134: {  	v6 =	vld.idx.msk [tilespmem:v7+s21+$0x0], vm0;
	_ =	sdelay $0x4  }
0x135: {  	v6 =	vnsel vm0, $0x0, v6  }
0x136: {  	v8 =	vxor.u32 $0x80000000, v6  }
0x137: {  	(xrf0) =	vmax.scan.msk.u32 $0xffff, v8;
	_ =	sdelay $0x5  }
0x138: {  	v8, _, _ =	vpop (xrf0)  }
0x139: {  	(v2sf) =	vpush v8, $0xF;
	_ =	sdelay $0xe  }
0x13a: {  	s28 =	spop (v2sf)  }
0x13b: {  	s28 =	sxor.u32 $0x80000000, s28  }
0x13c: {  	p0 =	slt.s32 s28, $0x1  }
.Ltmp6:
0x13d: {  	_ = 	snop;
	(pc) =	sbr.rel @p0 .LBB2_16-.Ltmp6, $3  }
0x13e: {  	_ =	sdelay $0x1  }
0x13f: {  	v9 =	vld [tilespmem:s29+$0xA800]  }
0x140: {  	v7 =	vld.idx.msk [tilespmem:v7+s20+$0x0], vm0  }
0x141: {  	p1 =	sgt.s32 s28, $0x2  }
.Ltmp7:
0x142: {  	_ = 	snop;
	(pc) =	sbr.rel @!p1 .LBB2_12-.Ltmp7, $4  }
0x143: {  	vm1 =	vgt.s32 v6, $0x1;
	v10 =	vmov s25  }
0x144: {  	vm0 =	vmand vm0, vm1;
	vm1 =	vlt.s32 v10, v6  }
0x145: {  	vm1 =	vmand vm0, vm1;
	v8 =	vshra.s32 v9, $0x1;
	v9 =	vand.u32 $0xFF, v9  }
0x146: {  	s29 =	simm.s32 $0x2;
	p0 =	por $0x0, $0x0;
	v8 =	vand.u32 $0xFFFFFF80, v8;
	v9 =	vmul.u32 $0x14, v9;
	v10 =	vadd.s32 s25, v7  }
0x147: {  	_ =	sdelay $0x4  }
0x148: {  	v10 =	vld.idx.msk [tilespmem:v10+s18+$0x0], vm1;
	_ =	sdelay $0x4  }
0x149: {  	v11 =	vand.u32 $0xFF, v10  }
0x14a: {  	v11 =	vadd.s32 v9, v11;
	_ =	sdelay $0x1  }
0x14b: {  	s30 =	simm.s32 $0x1  }
0x14c: {  	v12 =	vmov s30  }
0x14d: {  	vm2 =	vlt.s32 v12, v6;
	v10 =	vshra.s32 v10, $0x8  }
0x14e: {  	vm2 =	vmand vm0, vm2;
	v10 =	vadd.s32 v8, v10;
	v11 =	vld.idx.msk [tilespmem:v11+s13+$0x0], vm1  }
0x14f: {  	v12 =	vadd.s32 s30, v7;
	_ =	sdelay $0x3  }
0x150: {  	[tilespmem:v10+s22+$0x0] =	vst.idx.add.f32.msk vm1, v11  }
0x151: {  	v10 =	vld.idx.msk [tilespmem:v12+s18+$0x0], vm2;
	_ =	sdelay $0x4  }
0x152: {  	v11 =	vand.u32 $0xFF, v10  }
0x153: {  	v11 =	vadd.s32 v9, v11;
	_ =	sdelay $0x2  }
0x154: {  	v12 =	vmov s29  }
0x155: {  	p1 =	sgt.s32 s28, $0x4;
	vm1 =	vlt.s32 v12, v6;
	v10 =	vshra.s32 v10, $0x8  }
.Ltmp8:
0x156: {  	vm1 =	vmand vm0, vm1;
	v12 =	vadd.s32 v8, v10;
	v11 =	vld.idx.msk [tilespmem:v11+s13+$0x0], vm2;
	(pc) =	sbr.rel @!p1 .LBB2_15-.Ltmp8, $2  }
0x157: {  	v10 =	vadd.s32 s29, v7;
	_ =	sdelay $0x2  }
0x158: {  	p0 =	por $0x1, $0x1;
	s30 =	simm.s32 $0x4  }
.LBB2_14:
0x159: {  	[tilespmem:v12+s22+$0x0] =	vst.idx.add.f32.msk vm2, v11;
	s31 =	smov.u32 s30;
	s30 =	sadd.s32 $0x2, s30  }
0x15a: {  	p1 =	slt.s32 s30, s28;
	v10 =	vld.idx.msk [tilespmem:v10+s18+$0x0], vm1;
	_ =	sdelay $0x5  }
0x15b: {  	v11 =	vand.u32 $0xFF, v10;
	v10 =	vshra.s32 v10, $0x8  }
0x15c: {  	v11 =	vadd.s32 v9, v11;
	_ =	sdelay $0x2  }
0x15d: {  	s1 =	sadd.s32 $0x1, s29;
	s29 =	smov.u32 s31  }
0x15e: {  	v12 =	vmov s1  }
0x15f: {  	vm2 =	vlt.s32 v12, v6;
	v11 =	vld.idx.msk [tilespmem:v11+s13+$0x0], vm1  }
0x160: {  	vm2 =	vmand vm0, vm2;
	v10 =	vadd.s32 v8, v10  }
0x161: {  	v12 =	vadd.s32 s1, v7;
	_ =	sdelay $0x3  }
0x162: {  	[tilespmem:v10+s22+$0x0] =	vst.idx.add.f32.msk vm1, v11  }
0x163: {  	v10 =	vld.idx.msk [tilespmem:v12+s18+$0x0], vm2;
	_ =	sdelay $0x5  }
0x164: {  	v11 =	vand.u32 $0xFF, v10;
	v10 =	vshra.s32 v10, $0x8  }
0x165: {  	v11 =	vadd.s32 v9, v11;
	_ =	sdelay $0x2  }
.Ltmp9:
0x166: {  	(pc) =	sbr.rel @p1 .LBB2_14-.Ltmp9, $4  }
0x167: {  	v12 =	vmov s29  }
0x168: {  	vm1 =	vlt.s32 v12, v6;
	v11 =	vld.idx.msk [tilespmem:v11+s13+$0x0], vm2  }
0x169: {  	vm1 =	vmand vm0, vm1;
	v12 =	vadd.s32 v8, v10  }
0x16a: {  	v10 =	vadd.s32 s29, v7  }
.Ltmp10:
0x16b: {  	_ = 	snop;
	(pc) =	sbr.rel .LBB2_15-.Ltmp10, $1  }
0x16c: {  	_ =	sdelay $0x3  }
.LBB2_17:
0x16d: {  	s25 =	simm.s32 $0x0;
	s26 =	simm.s32 $0xBC40  }
.LBB2_18:
0x16e: {  	v5 =	vmov s25;
	_ =	sdelay $0x3  }
0x16f: {  	v6 =	vld [tilespmem:s26+$0xFFFFFFC0]  }
0x170: {  	v5 =	vld.idx.msk [tilespmem:v5+s23+$0x0], $0xffff;
	_ =	sdelay $0x1  }
0x171: {  	v7 =	vld [tilespmem:$0xFC80];
	_ =	sdelay $0x2  }
0x172: {  	v6 =	vmul.f32 v6, v5;
	_ =	sdelay $0x1  }
0x173: {  	v6 =	vmul.f32 v7, v6;
	_ =	sdelay $0x1  }
0x174: {  	v6 =	vmax.f32 v6, $-1.000000000e+01  }
0x175: {  	v6 =	vmin.f32 v6, $1.000000000e+01  }
0x176: {  	v6 =	vadd.f32 v6, v6;
	_ =	sdelay $0x1  }
0x177: {  	v6 =	vmul.f32 $1.442695020e+00, v6;
	_ =	sdelay $0x1  }
0x178: {  	(erf) = vpow2.f32 v6;
	_ =	sdelay $0x8  }
0x179: {  	v6 =	vpop (erf)  }
0x17a: {  	v6 =	vadd.f32 $1.000000000e+00, v6;
	_ =	sdelay $0x1  }
0x17b: {  	(erf) = vrcp.f32 v6;
	_ =	sdelay $0x8  }
0x17c: {  	v6 =	vpop (erf)  }
0x17d: {  	v6 =	vadd.f32 v6, v6;
	_ =	sdelay $0x1  }
0x17e: {  	v6 =	vsub.f32 $1.000000000e+00, v6;
	_ =	sdelay $0x1  }
0x17f: {  	[tilespmem:s26+$0xFFFFFFC0] =	vst v6;
	v6 =	vld [tilespmem:s26+$0xFFFFFFD0];
	_ =	sdelay $0x1  }
0x180: {  	v7 =	vld [tilespmem:$0xFC90];
	_ =	sdelay $0x2  }
0x181: {  	v6 =	vmul.f32 v6, v5;
	_ =	sdelay $0x1  }
0x182: {  	v6 =	vmul.f32 v7, v6;
	_ =	sdelay $0x1  }
0x183: {  	v6 =	vmax.f32 v6, $-1.000000000e+01  }
0x184: {  	v6 =	vmin.f32 v6, $1.000000000e+01  }
0x185: {  	v6 =	vadd.f32 v6, v6;
	_ =	sdelay $0x1  }
0x186: {  	v6 =	vmul.f32 $1.442695020e+00, v6;
	_ =	sdelay $0x1  }
0x187: {  	(erf) = vpow2.f32 v6;
	_ =	sdelay $0x8  }
0x188: {  	v6 =	vpop (erf)  }
0x189: {  	v6 =	vadd.f32 $1.000000000e+00, v6;
	_ =	sdelay $0x1  }
0x18a: {  	(erf) = vrcp.f32 v6;
	_ =	sdelay $0x8  }
0x18b: {  	v6 =	vpop (erf)  }
0x18c: {  	v6 =	vadd.f32 v6, v6;
	_ =	sdelay $0x1  }
0x18d: {  	v6 =	vsub.f32 $1.000000000e+00, v6;
	_ =	sdelay $0x1  }
0x18e: {  	[tilespmem:s26+$0xFFFFFFD0] =	vst v6;
	v6 =	vld [tilespmem:s26+$0xFFFFFFE0];
	_ =	sdelay $0x1  }
0x18f: {  	v7 =	vld [tilespmem:$0xFCA0];
	_ =	sdelay $0x2  }
0x190: {  	v6 =	vmul.f32 v6, v5;
	_ =	sdelay $0x1  }
0x191: {  	v6 =	vmul.f32 v7, v6;
	_ =	sdelay $0x1  }
0x192: {  	v6 =	vmax.f32 v6, $-1.000000000e+01  }
0x193: {  	v6 =	vmin.f32 v6, $1.000000000e+01  }
0x194: {  	v6 =	vadd.f32 v6, v6;
	_ =	sdelay $0x1  }
0x195: {  	v6 =	vmul.f32 $1.442695020e+00, v6;
	_ =	sdelay $0x1  }
0x196: {  	(erf) = vpow2.f32 v6;
	_ =	sdelay $0x8  }
0x197: {  	v6 =	vpop (erf)  }
0x198: {  	v6 =	vadd.f32 $1.000000000e+00, v6;
	_ =	sdelay $0x1  }
0x199: {  	(erf) = vrcp.f32 v6;
	_ =	sdelay $0x8  }
0x19a: {  	v6 =	vpop (erf)  }
0x19b: {  	v6 =	vadd.f32 v6, v6;
	_ =	sdelay $0x1  }
0x19c: {  	v6 =	vsub.f32 $1.000000000e+00, v6;
	_ =	sdelay $0x1  }
0x19d: {  	[tilespmem:s26+$0xFFFFFFE0] =	vst v6;
	v6 =	vld [tilespmem:s26+$0xFFFFFFF0];
	_ =	sdelay $0x1  }
0x19e: {  	v7 =	vld [tilespmem:$0xFCB0];
	_ =	sdelay $0x2  }
0x19f: {  	v6 =	vmul.f32 v6, v5;
	_ =	sdelay $0x1  }
0x1a0: {  	v6 =	vmul.f32 v7, v6;
	_ =	sdelay $0x1  }
0x1a1: {  	v6 =	vmax.f32 v6, $-1.000000000e+01  }
0x1a2: {  	v6 =	vmin.f32 v6, $1.000000000e+01  }
0x1a3: {  	v6 =	vadd.f32 v6, v6;
	_ =	sdelay $0x1  }
0x1a4: {  	v6 =	vmul.f32 $1.442695020e+00, v6;
	_ =	sdelay $0x1  }
0x1a5: {  	(erf) = vpow2.f32 v6;
	_ =	sdelay $0x8  }
0x1a6: {  	v6 =	vpop (erf)  }
0x1a7: {  	v6 =	vadd.f32 $1.000000000e+00, v6;
	_ =	sdelay $0x1  }
0x1a8: {  	(erf) = vrcp.f32 v6;
	_ =	sdelay $0x8  }
0x1a9: {  	v6 =	vpop (erf)  }
0x1aa: {  	v6 =	vadd.f32 v6, v6;
	_ =	sdelay $0x1  }
0x1ab: {  	v6 =	vsub.f32 $1.000000000e+00, v6;
	_ =	sdelay $0x1  }
0x1ac: {  	[tilespmem:s26+$0xFFFFFFF0] =	vst v6;
	v6 =	vld [tilespmem:s26+$0x0];
	_ =	sdelay $0x1  }
0x1ad: {  	v7 =	vld [tilespmem:$0xFCC0];
	_ =	sdelay $0x2  }
0x1ae: {  	v6 =	vmul.f32 v6, v5;
	_ =	sdelay $0x1  }
0x1af: {  	v6 =	vmul.f32 v7, v6;
	_ =	sdelay $0x1  }
0x1b0: {  	v6 =	vmax.f32 v6, $-1.000000000e+01  }
0x1b1: {  	v6 =	vmin.f32 v6, $1.000000000e+01  }
0x1b2: {  	v6 =	vadd.f32 v6, v6;
	_ =	sdelay $0x1  }
0x1b3: {  	v6 =	vmul.f32 $1.442695020e+00, v6;
	_ =	sdelay $0x1  }
0x1b4: {  	(erf) = vpow2.f32 v6;
	_ =	sdelay $0x8  }
0x1b5: {  	v6 =	vpop (erf)  }
0x1b6: {  	v6 =	vadd.f32 $1.000000000e+00, v6;
	_ =	sdelay $0x1  }
0x1b7: {  	(erf) = vrcp.f32 v6;
	_ =	sdelay $0x8  }
0x1b8: {  	v6 =	vpop (erf)  }
0x1b9: {  	v6 =	vadd.f32 v6, v6;
	_ =	sdelay $0x1  }
0x1ba: {  	v6 =	vsub.f32 $1.000000000e+00, v6;
	_ =	sdelay $0x1  }
0x1bb: {  	[tilespmem:s26+$0x0] =	vst v6;
	v6 =	vld [tilespmem:s26+$0x10];
	_ =	sdelay $0x1  }
0x1bc: {  	v7 =	vld [tilespmem:$0xFCD0];
	_ =	sdelay $0x2  }
0x1bd: {  	v6 =	vmul.f32 v6, v5;
	_ =	sdelay $0x1  }
0x1be: {  	v6 =	vmul.f32 v7, v6;
	_ =	sdelay $0x1  }
0x1bf: {  	v6 =	vmax.f32 v6, $-1.000000000e+01  }
0x1c0: {  	v6 =	vmin.f32 v6, $1.000000000e+01  }
0x1c1: {  	v6 =	vadd.f32 v6, v6;
	_ =	sdelay $0x1  }
0x1c2: {  	v6 =	vmul.f32 $1.442695020e+00, v6;
	_ =	sdelay $0x1  }
0x1c3: {  	(erf) = vpow2.f32 v6;
	_ =	sdelay $0x8  }
0x1c4: {  	v6 =	vpop (erf)  }
0x1c5: {  	v6 =	vadd.f32 $1.000000000e+00, v6;
	_ =	sdelay $0x1  }
0x1c6: {  	(erf) = vrcp.f32 v6;
	_ =	sdelay $0x8  }
0x1c7: {  	v6 =	vpop (erf)  }
0x1c8: {  	v6 =	vadd.f32 v6, v6;
	_ =	sdelay $0x1  }
0x1c9: {  	v6 =	vsub.f32 $1.000000000e+00, v6;
	_ =	sdelay $0x1  }
0x1ca: {  	[tilespmem:s26+$0x10] =	vst v6;
	v6 =	vld [tilespmem:s26+$0x20];
	_ =	sdelay $0x1  }
0x1cb: {  	v7 =	vld [tilespmem:$0xFCE0];
	_ =	sdelay $0x2  }
0x1cc: {  	v6 =	vmul.f32 v6, v5;
	_ =	sdelay $0x1  }
0x1cd: {  	v6 =	vmul.f32 v7, v6;
	_ =	sdelay $0x1  }
0x1ce: {  	v6 =	vmax.f32 v6, $-1.000000000e+01  }
0x1cf: {  	v6 =	vmin.f32 v6, $1.000000000e+01  }
0x1d0: {  	v6 =	vadd.f32 v6, v6;
	_ =	sdelay $0x1  }
0x1d1: {  	v6 =	vmul.f32 $1.442695020e+00, v6;
	_ =	sdelay $0x1  }
0x1d2: {  	(erf) = vpow2.f32 v6;
	_ =	sdelay $0x8  }
0x1d3: {  	v6 =	vpop (erf)  }
0x1d4: {  	v6 =	vadd.f32 $1.000000000e+00, v6;
	_ =	sdelay $0x1  }
0x1d5: {  	(erf) = vrcp.f32 v6;
	_ =	sdelay $0x8  }
0x1d6: {  	v6 =	vpop (erf)  }
0x1d7: {  	v6 =	vadd.f32 v6, v6;
	_ =	sdelay $0x1  }
0x1d8: {  	v6 =	vsub.f32 $1.000000000e+00, v6;
	_ =	sdelay $0x1  }
0x1d9: {  	[tilespmem:s26+$0x20] =	vst v6;
	v6 =	vld [tilespmem:s26+$0x30];
	_ =	sdelay $0x1  }
0x1da: {  	v7 =	vld [tilespmem:$0xFCF0];
	_ =	sdelay $0x2  }
0x1db: {  	v5 =	vmul.f32 v6, v5;
	_ =	sdelay $0x1  }
0x1dc: {  	v5 =	vmul.f32 v7, v5;
	_ =	sdelay $0x1  }
0x1dd: {  	v5 =	vmax.f32 v5, $-1.000000000e+01  }
0x1de: {  	v5 =	vmin.f32 v5, $1.000000000e+01  }
0x1df: {  	v5 =	vadd.f32 v5, v5;
	_ =	sdelay $0x1  }
0x1e0: {  	v5 =	vmul.f32 $1.442695020e+00, v5;
	_ =	sdelay $0x1  }
0x1e1: {  	(erf) = vpow2.f32 v5;
	_ =	sdelay $0x8  }
0x1e2: {  	v5 =	vpop (erf)  }
0x1e3: {  	v5 =	vadd.f32 $1.000000000e+00, v5;
	_ =	sdelay $0x1  }
0x1e4: {  	(erf) = vrcp.f32 v5;
	_ =	sdelay $0x8  }
0x1e5: {  	p0 =	sne.s32 s25, $0x7F;
	v5 =	vpop (erf)  }
.Ltmp11:
0x1e6: {  	v5 =	vadd.f32 v5, v5;
	(pc) =	sbr.rel @p0 .LBB2_18-.Ltmp11, $3  }
0x1e7: {  	_ = 	snop  }
0x1e8: {  	v5 =	vsub.f32 $1.000000000e+00, v5;
	_ =	sdelay $0x1  }
0x1e9: {  	s25 =	sadd.s32 $0x1, s25;
	[tilespmem:s26+$0x30] =	vst v5;
	s26 =	sadd.s32 $0x80, s26  }
0x1ea: {  	s24 =	sadd.s32 $0x1, s24  }
0x1eb: {  	p0 =	sne.s32 s24, s8  }
.Ltmp12:
0x1ec: {  	_ = 	snop;
	(pc) =	sbr.rel @p0 .LBB2_1-.Ltmp12, $4  }
0x1ed: {  	[hbm4b:s7+s9] =	stream.strided.scatter [tilespmem:s22], [sflag:$0x1], $0x4000, s10, s9, $0x38;
	[tilespmem:$0xFD00] =	vst v63  }
0x1ee: {  	_ =	swait.ge [sflag:s11], $0x4000  }
0x1ef: {  	[sflag:s11] =	ssyncset.done $0x0  }
0x1f0: {  	[sflag:s11] =	ssyncadd.s32 $0xFFFFC000  }
0x1f1: {  	_ =	sfence.sel $0x180000  }
0x1f2: {  	[bflag:$0x0] =	sbarrier.arrive $0xFFFF  }
0x1f3: {  	_ =	strace $0x90000047  }
0x1f4: {  	[bflag:$0x2] =	sbarrier.arrive $0xFFFF  }
0x1f5: {  	p0 =	sne.s32 s0, $0x0;
	s0 =	rddreg [dreg:$0x2]  }
0x1f6: {  	s0 =	sadd.s32 @!p0 $0x100000, s0  }
0x1f7: {  	[sflag:s0] =	ssyncadd.tile.s32 @!p0 $0x1;
	_ =	shalt  }
.Lfunc_end2:
_tile_overlayer_lowered:
.L_overlay_start_2:
0x1f8: {  	(tag) =	ssettag $0x2  }
0x1f9: {  	s0 =	rddreg [dreg:$0x0];
	s2 =	stileid.u32  }
0x1fa: {  	s1 =	rddreg [dreg:$0x1];
	p0 =	sne.s32 s2, $0x0  }
0x1fb: {  	s3 =	rddreg [dreg:$0x2];
	[bflag:$0x3] =	sbarrier.arrive $0xFFFF;
	s2 =	simm.s32 @!p0 $0x1C01  }
0x1fc: {  	[timem:s3], [sflag:s2] =	dma.local @!p0 [hbm:s0], s1  }
0x1fd: {  	s0 =	simm.s32 @!p0 $0x1  }
0x1fe: {  	_ =	swait.ge @!p0 [sflag:s0], s1  }
0x1ff: {  	s1 =	ssub.s32 @!p0 $0x0, s1;
	[sflag:s0] =	ssyncset.done @!p0 $0x0  }
0x200: {  	[sflag:s0] =	ssyncadd.s32 @!p0 s1  }
0x201: {  	[bflag:$0x3] =	sbarrier.arrive $0xFFFF  }
0x202: {  	_ =	shalt  }

</sc_bundles>
